<compile_context>
chip_gen: v7x
topology: tpu7x:2x2x1
jax: 0.10.2.dev20260603
libtpu: 0.0.44.dev20260713+nightly
codegen_flags: <defaults>
</compile_context>

<pallas_src>
import functools

import jax
import jax.numpy as jnp
from jax import lax
from jax.experimental import pallas as pl
from jax.experimental.pallas import tpu as pltpu
from jax.experimental.pallas import tpu_sc as plsc

N_NODES = 10000
N_EDGES = 160000
D_FEAT = 128
LANES = 16
NUM_CORES = 2
NUM_SUBCORES = 16
NUM_WORKERS = NUM_CORES * NUM_SUBCORES
CHUNK = N_EDGES // NUM_WORKERS
NFULL = CHUNK // LANES
ACC_WORDS = 10240
OFF_SUM_R, OFF_SUM_X, OFF_SQ_R, OFF_SQ_X = 10000, 10016, 10032, 10048
STRIPE = ACC_WORDS // NUM_SUBCORES
VRANGE = 320
SLAB = 32
NSLAB = VRANGE // SLAB


def _vx_body(nf_hbm, v_hbm, ring0_v, ring1_v, ring2_v, ring3_v, vtmp_v,
             rsem0, rsem1, rsem2, rsem3):
    c = lax.axis_index("c")
    s = lax.axis_index("s")
    w = c * NUM_SUBCORES + s
    vstart = jnp.minimum(VRANGE * w, N_NODES - VRANGE)
    lane = lax.iota(jnp.int32, LANES)
    lane128 = lane * D_FEAT
    rings = [ring0_v, ring1_v, ring2_v, ring3_v]
    rsems = [rsem0, rsem1, rsem2, rsem3]

    def _issue(j):
        return pltpu.async_copy(
            nf_hbm.at[pl.ds((vstart + SLAB * j) * D_FEAT, SLAB * D_FEAT)],
            rings[j % 4], rsems[j % 4])

    ring_cps = [_issue(j) for j in range(4)]
    for j in range(NSLAB):
        ring_cps[j % 4].wait()
        v0 = plsc.load_gather(rings[j % 4], [lane128])
        v1 = plsc.load_gather(rings[j % 4], [lane128 + LANES * D_FEAT])
        if j + 4 < NSLAB:
            ring_cps[j % 4] = _issue(j + 4)
        vtmp_v[pl.ds(SLAB * j, LANES)] = v0
        vtmp_v[pl.ds(SLAB * j + LANES, LANES)] = v1
    pltpu.sync_copy(vtmp_v, v_hbm.at[pl.ds(vstart, VRANGE)])


_vx_kernel = functools.partial(
    pl.kernel,
    out_type=jax.ShapeDtypeStruct((N_NODES,), jnp.float32),
    mesh=plsc.VectorSubcoreMesh(core_axis_name="c", subcore_axis_name="s"),
    compiler_params=pltpu.CompilerParams(needs_layout_passes=False),
    scratch_types=[
        pltpu.VMEM((SLAB * D_FEAT,), jnp.float32),
        pltpu.VMEM((SLAB * D_FEAT,), jnp.float32),
        pltpu.VMEM((SLAB * D_FEAT,), jnp.float32),
        pltpu.VMEM((SLAB * D_FEAT,), jnp.float32),
        pltpu.VMEM((VRANGE,), jnp.float32),
        pltpu.SemaphoreType.DMA,
        pltpu.SemaphoreType.DMA,
        pltpu.SemaphoreType.DMA,
        pltpu.SemaphoreType.DMA,
    ],
)(_vx_body)


def _sc_body(v_hbm, ei_hbm, lg_hbm, r_hbm, x_hbm, out_hbm,
             v_v, src_v, dst_v, lg_v, r_v, x_v,
             acc_v, stripes_v, red_v, shacc_s,
             sem0, sem1, sem2, sem3, sem4, sem5):
    c = lax.axis_index("c")
    s = lax.axis_index("s")
    w = c * NUM_SUBCORES + s
    ebase = w * CHUNK

    cps = [
        pltpu.async_copy(v_hbm, v_v, sem5),
        pltpu.async_copy(ei_hbm.at[pl.ds(ebase, CHUNK)], src_v, sem0),
        pltpu.async_copy(ei_hbm.at[pl.ds(N_EDGES + ebase, CHUNK)], dst_v,
                         sem1),
        pltpu.async_copy(lg_hbm.at[pl.ds(ebase, CHUNK)], lg_v, sem2),
        pltpu.async_copy(r_hbm.at[pl.ds(ebase, CHUNK)], r_v, sem3),
        pltpu.async_copy(x_hbm.at[pl.ds(ebase, CHUNK)], x_v, sem4),
    ]

    lane = lax.iota(jnp.int32, LANES)
    zero16 = jnp.zeros((LANES,), jnp.float32)

    def _zero(i, _):
        acc_v[pl.ds(i * LANES, LANES)] = zero16
        return 0
    lax.fori_loop(0, ACC_WORDS // LANES, _zero, 0, unroll=8)
    for cp in cps:
        cp.wait()

    def _edge_step(b, mask):
        si = src_v[pl.ds(b, LANES)]
        di = dst_v[pl.ds(b, LANES)]
        if mask is not None:
            si = jnp.where(mask, si, 0)
            di = jnp.where(mask, di, 0)
        lg = lg_v[pl.ds(b, LANES)]
        rr = r_v[pl.ds(b, LANES)]
        rx = x_v[pl.ds(b, LANES)]
        vs = plsc.load_gather(v_v, [si])
        vd = plsc.load_gather(v_v, [di])
        imp = rr + rx + jnp.float32(1e-6)
        diff = jnp.abs(vs - vd)
        wgt = diff / (imp * (jnp.float32(1.0) + jnp.exp(-lg)))
        plsc.addupdate_scatter(acc_v, [di], wgt)
        plsc.addupdate_scatter(acc_v, [si], -wgt)

    plsc.parallel_loop(0, NFULL, unroll=4)(
        lambda i: _edge_step(i * LANES, None))
    _edge_step(CHUNK - LANES, lane >= 8)

    def _kvl(i, carry):
        s_r, s_x, q_r, q_x = carry
        rr = r_v[pl.ds(i * LANES, LANES)]
        rx = x_v[pl.ds(i * LANES, LANES)]
        return (s_r + rr, s_x + rx, q_r + rr * rr, q_x + rx * rx)

    s_r, s_x, q_r, q_x = lax.fori_loop(
        0, NFULL, _kvl, (zero16, zero16, zero16, zero16), unroll=4)
    tmask = lane >= 8
    rr = jnp.where(tmask, r_v[pl.ds(CHUNK - LANES, LANES)], 0.0)
    rx = jnp.where(tmask, x_v[pl.ds(CHUNK - LANES, LANES)], 0.0)
    acc_v[pl.ds(OFF_SUM_R, LANES)] = s_r + rr
    acc_v[pl.ds(OFF_SUM_X, LANES)] = s_x + rx
    acc_v[pl.ds(OFF_SQ_R, LANES)] = q_r + rr * rr
    acc_v[pl.ds(OFF_SQ_X, LANES)] = q_x + rx * rx

    pltpu.sync_copy(acc_v, shacc_s.at[s])
    plsc.subcore_barrier()
    words = pl.ds(STRIPE * s, STRIPE)
    pltpu.sync_copy(shacc_s.at[:, words], stripes_v)

    def _acc_vec(k, _):
        sl = pl.ds(k * LANES, LANES)
        acc = stripes_v[0, sl]
        for j in range(1, NUM_SUBCORES):
            acc = acc + stripes_v[j, sl]
        red_v[sl] = acc
        return 0
    lax.fori_loop(0, STRIPE // LANES, _acc_vec, 0, unroll=2)
    pltpu.sync_copy(red_v, out_hbm.at[c, words])


_sc_kernel = functools.partial(
    pl.kernel,
    out_type=jax.ShapeDtypeStruct((NUM_CORES, ACC_WORDS), jnp.float32),
    mesh=plsc.VectorSubcoreMesh(core_axis_name="c", subcore_axis_name="s"),
    compiler_params=pltpu.CompilerParams(needs_layout_passes=False),
    scratch_types=[
        pltpu.VMEM((N_NODES,), jnp.float32),
        pltpu.VMEM((CHUNK,), jnp.int32),
        pltpu.VMEM((CHUNK,), jnp.int32),
        pltpu.VMEM((CHUNK,), jnp.float32),
        pltpu.VMEM((CHUNK,), jnp.float32),
        pltpu.VMEM((CHUNK,), jnp.float32),
        pltpu.VMEM((ACC_WORDS,), jnp.float32),
        pltpu.VMEM((NUM_SUBCORES, STRIPE), jnp.float32),
        pltpu.VMEM((STRIPE,), jnp.float32),
        pltpu.VMEM_SHARED((NUM_SUBCORES, ACC_WORDS), jnp.float32),
        pltpu.SemaphoreType.DMA,
        pltpu.SemaphoreType.DMA,
        pltpu.SemaphoreType.DMA,
        pltpu.SemaphoreType.DMA,
        pltpu.SemaphoreType.DMA,
        pltpu.SemaphoreType.DMA,
    ],
)(_sc_body)


def _finish_kernel(p_ref, o_ref):
    p = p_ref[...]
    tot = (p[0] + p[1]).reshape(ACC_WORDS // D_FEAT, D_FEAT)
    fidx = (lax.broadcasted_iota(jnp.int32, tot.shape, 0) * D_FEAT
            + lax.broadcasted_iota(jnp.int32, tot.shape, 1))
    nodes = jnp.where(fidx < N_NODES, tot, 0.0)
    kcl = jnp.sum(nodes * nodes) / jnp.float32(N_NODES)

    def _sum16(off):
        m = (fidx >= off) & (fidx < off + LANES)
        return jnp.sum(jnp.where(m, tot, 0.0))

    s_r, s_x = _sum16(OFF_SUM_R), _sum16(OFF_SUM_X)
    q_r, q_x = _sum16(OFF_SQ_R), _sum16(OFF_SQ_X)
    n = jnp.float32(N_EDGES)
    var_r = (q_r - s_r * s_r / n) / (n - 1.0)
    var_x = (q_x - s_x * s_x / n) / (n - 1.0)
    o_ref[0, 0] = kcl + 0.5 * (var_r + var_x)


def kernel(node_features, edge_index, edge_logits, edge_params):
    nf_flat = node_features.reshape(-1)
    r = edge_params[:, 0]
    x = edge_params[:, 1]
    v = _vx_kernel(nf_flat)
    partial = _sc_kernel(v, edge_index.reshape(-1), edge_logits, r, x)
    out = pl.pallas_call(
        _finish_kernel,
        out_shape=jax.ShapeDtypeStruct((1, 1), jnp.float32),
        out_specs=pl.BlockSpec(memory_space=pltpu.SMEM),
    )(partial)
    return out[0, 0]

# --- scband reference (transcript-rebuilt; emitter-appended) ---
"""Pipeline reference for scband-physics-loss-38010460570135 (READ-ONLY COPY).

The authoritative reference and input builder live on the scoring server;
editing this copy changes nothing except your own understanding.
"""

import jax, jax.numpy as jnp
import numpy as np

N_NODES = 10000
N_EDGES = 160000
D_FEAT = 128
ALPHA_KCL = 1.0
ALPHA_KVL = 1.0


def setup_inputs(seed: int = 0) -> dict:
    key = jax.random.key(seed)
    k1, k2, k3, k4 = jax.random.split(key, 4)
    node_features = jax.random.normal(k1, (N_NODES, D_FEAT), dtype=jnp.float32)
    edge_index = jax.random.randint(k2, (2, N_EDGES), 0, N_NODES, dtype=jnp.int32)
    edge_logits = jax.random.normal(k3, (N_EDGES,), dtype=jnp.float32)
    edge_params = jax.random.uniform(k4, (N_EDGES, 2), dtype=jnp.float32)
    return {
        "node_features": node_features,
        "edge_index": edge_index,
        "edge_logits": edge_logits,
        "edge_params": edge_params,
    }


def reference(node_features, edge_index, edge_logits, edge_params):
    # Faithful vectorization of the per-node Python loop in the torch module.
    edge_probs = jax.nn.sigmoid(edge_logits)
    src = edge_index[0]
    dst = edge_index[1]
    v = node_features[:, 0]
    # Per edge: |v_src - v_dst| / (R + X + 1e-6); abs makes it symmetric,
    # so src-side and dst-side loops in the original compute the same current.
    v_diff = jnp.abs(jnp.take(v, src) - jnp.take(v, dst))
    impedance = edge_params[:, 0] + edge_params[:, 1]
    current = v_diff / (impedance + 1e-06)
    weighted = current * edge_probs
    n_nodes = node_features.shape[0]
    # Each node accumulates +current for edges where it is dst, -current where it is src.
    current_sum = (
        jnp.zeros((n_nodes,), dtype=jnp.float32)
        .at[dst].add(weighted)
        .at[src].add(-weighted)
    )
    kcl_loss = jnp.mean(current_sum ** 2)
    # torch.var defaults to unbiased (ddof=1)
    kvl_loss = jnp.mean(jnp.var(edge_params, axis=0, ddof=1))
    return ALPHA_KCL * kcl_loss + ALPHA_KVL * kvl_loss

if __name__ == "__main__":
    import jax
    _d = setup_inputs()
    print(jax.jit(kernel)(*tuple(_d.values())))

</pallas_src>

<mosaic_0001>
#map = affine_map<(d0, d1) -> (0)>
module attributes {stable_mosaic.version = 14 : i64} {
  func.func @_vx_body(%arg0: i32, %arg1: i32, %arg2: memref<1280000xf32, #tpu.memory_space<hbm>>, %arg3: memref<10000xf32, #tpu.memory_space<hbm>>, %arg4: memref<4096xf32, #tpu.memory_space<vmem>>, %arg5: memref<4096xf32, #tpu.memory_space<vmem>>, %arg6: memref<4096xf32, #tpu.memory_space<vmem>>, %arg7: memref<4096xf32, #tpu.memory_space<vmem>>, %arg8: memref<320xf32, #tpu.memory_space<vmem>>, %arg9: memref<!tpu.dma_semaphore, #tpu.memory_space<semaphore_mem>>, %arg10: memref<!tpu.dma_semaphore, #tpu.memory_space<semaphore_mem>>, %arg11: memref<!tpu.dma_semaphore, #tpu.memory_space<semaphore_mem>>, %arg12: memref<!tpu.dma_semaphore, #tpu.memory_space<semaphore_mem>>) attributes {dimension_semantics = [#tpu.dimension_semantics<core_parallel>, #tpu.dimension_semantics<subcore_parallel>], iteration_bounds = array<i64: 2, 16>, scalar_prefetch = 0 : i64, scratch_operands = 9 : i64, tpu.core_type = #tpu.core_type<sc_vector_subcore>, window_params = [{transform_indices = #map}, {transform_indices = #map}]} {
    %mul3A = arith.constant 16 : i32
    %mul3A_0 = arith.muli %arg0, %mul3A : i32
    %add3A = arith.addi %mul3A_0, %arg1 : i32
    %mul3A_1 = arith.constant 320 : i32
    %mul3A_2 = arith.muli %mul3A_1, %add3A : i32
    %min3A = arith.constant 9680 : i32
    %min3A_3 = arith.minsi %mul3A_2, %min3A : i32
    %iota3A = tpu.iota {dimensions = array<i32: 0>} : vector<16xi32>
    %mul3A_4 = arith.constant 128 : i32
    %mul3A_5 = vector.broadcast %mul3A_4 : i32 to vector<16xi32>
    %mul3A_6 = arith.muli %iota3A, %mul3A_5 : vector<16xi32>
    %add3A_7 = arith.constant 0 : i32
    %add3A_8 = arith.addi %min3A_3, %add3A_7 : i32
    %mul3A_9 = arith.constant 128 : i32
    %mul3A_10 = arith.muli %add3A_8, %mul3A_9 : i32
    %dma_start3A = tpu.memref_slice %arg2[%mul3A_10] : memref<1280000xf32, #tpu.memory_space<hbm>> -> memref<4096xf32, #tpu.memory_space<hbm>>
    %dma_start3A_11 = tpu.memref_slice %arg2[%mul3A_10] : memref<1280000xf32, #tpu.memory_space<hbm>> -> memref<4096xf32, #tpu.memory_space<hbm>>
    tpu.enqueue_dma source(%dma_start3A_11 : memref<4096xf32, #tpu.memory_space<hbm>>) target(%arg4 : memref<4096xf32, #tpu.memory_space<vmem>>) target_semaphore(%arg9 : memref<!tpu.dma_semaphore, #tpu.memory_space<semaphore_mem>>)
    %add3A_12 = arith.constant 32 : i32
    %add3A_13 = arith.addi %min3A_3, %add3A_12 : i32
    %mul3A_14 = arith.constant 128 : i32
    %mul3A_15 = arith.muli %add3A_13, %mul3A_14 : i32
    %dma_start3A_16 = tpu.memref_slice %arg2[%mul3A_15] : memref<1280000xf32, #tpu.memory_space<hbm>> -> memref<4096xf32, #tpu.memory_space<hbm>>
    %dma_start3A_17 = tpu.memref_slice %arg2[%mul3A_15] : memref<1280000xf32, #tpu.memory_space<hbm>> -> memref<4096xf32, #tpu.memory_space<hbm>>
    tpu.enqueue_dma source(%dma_start3A_17 : memref<4096xf32, #tpu.memory_space<hbm>>) target(%arg5 : memref<4096xf32, #tpu.memory_space<vmem>>) target_semaphore(%arg10 : memref<!tpu.dma_semaphore, #tpu.memory_space<semaphore_mem>>)
    %add3A_18 = arith.constant 64 : i32
    %add3A_19 = arith.addi %min3A_3, %add3A_18 : i32
    %mul3A_20 = arith.constant 128 : i32
    %mul3A_21 = arith.muli %add3A_19, %mul3A_20 : i32
    %dma_start3A_22 = tpu.memref_slice %arg2[%mul3A_21] : memref<1280000xf32, #tpu.memory_space<hbm>> -> memref<4096xf32, #tpu.memory_space<hbm>>
    %dma_start3A_23 = tpu.memref_slice %arg2[%mul3A_21] : memref<1280000xf32, #tpu.memory_space<hbm>> -> memref<4096xf32, #tpu.memory_space<hbm>>
    tpu.enqueue_dma source(%dma_start3A_23 : memref<4096xf32, #tpu.memory_space<hbm>>) target(%arg6 : memref<4096xf32, #tpu.memory_space<vmem>>) target_semaphore(%arg11 : memref<!tpu.dma_semaphore, #tpu.memory_space<semaphore_mem>>)
    %add3A_24 = arith.constant 96 : i32
    %add3A_25 = arith.addi %min3A_3, %add3A_24 : i32
    %mul3A_26 = arith.constant 128 : i32
    %mul3A_27 = arith.muli %add3A_25, %mul3A_26 : i32
    %dma_start3A_28 = tpu.memref_slice %arg2[%mul3A_27] : memref<1280000xf32, #tpu.memory_space<hbm>> -> memref<4096xf32, #tpu.memory_space<hbm>>
    %dma_start3A_29 = tpu.memref_slice %arg2[%mul3A_27] : memref<1280000xf32, #tpu.memory_space<hbm>> -> memref<4096xf32, #tpu.memory_space<hbm>>
    tpu.enqueue_dma source(%dma_start3A_29 : memref<4096xf32, #tpu.memory_space<hbm>>) target(%arg7 : memref<4096xf32, #tpu.memory_space<vmem>>) target_semaphore(%arg12 : memref<!tpu.dma_semaphore, #tpu.memory_space<semaphore_mem>>)
    %dma_wait3A = tpu.memref_slice %arg2[%mul3A_10] : memref<1280000xf32, #tpu.memory_space<hbm>> -> memref<4096xf32, #tpu.memory_space<hbm>>
    %dma_wait3A_30 = tpu.memref_slice %arg2[%mul3A_10] : memref<1280000xf32, #tpu.memory_space<hbm>> -> memref<4096xf32, #tpu.memory_space<hbm>>
    tpu.wait_dma2 semaphore(%arg9 : memref<!tpu.dma_semaphore, #tpu.memory_space<semaphore_mem>>) src(%dma_wait3A_30 : memref<4096xf32, #tpu.memory_space<hbm>>) dst(%arg4 : memref<4096xf32, #tpu.memory_space<vmem>>)
    %gather3A = tpu.vector_load_idx %arg4[%mul3A_6] : memref<4096xf32, #tpu.memory_space<vmem>>[vector<16xi32>], vector<16xf32>,
    %add3A_31 = arith.constant 2048 : i32
    %add3A_32 = vector.broadcast %add3A_31 : i32 to vector<16xi32>
    %add3A_33 = arith.addi %mul3A_6, %add3A_32 : vector<16xi32>
    %gather3A_34 = tpu.vector_load_idx %arg4[%add3A_33] : memref<4096xf32, #tpu.memory_space<vmem>>[vector<16xi32>], vector<16xf32>,
    %add3A_35 = arith.constant 128 : i32
    %add3A_36 = arith.addi %min3A_3, %add3A_35 : i32
    %mul3A_37 = arith.constant 128 : i32
    %mul3A_38 = arith.muli %add3A_36, %mul3A_37 : i32
    %dma_start3A_39 = tpu.memref_slice %arg2[%mul3A_38] : memref<1280000xf32, #tpu.memory_space<hbm>> -> memref<4096xf32, #tpu.memory_space<hbm>>
    %dma_start3A_40 = tpu.memref_slice %arg2[%mul3A_38] : memref<1280000xf32, #tpu.memory_space<hbm>> -> memref<4096xf32, #tpu.memory_space<hbm>>
    tpu.enqueue_dma source(%dma_start3A_40 : memref<4096xf32, #tpu.memory_space<hbm>>) target(%arg4 : memref<4096xf32, #tpu.memory_space<vmem>>) target_semaphore(%arg9 : memref<!tpu.dma_semaphore, #tpu.memory_space<semaphore_mem>>)
    %swap3A = arith.constant 0 : index
    %swap3A_41 = tpu.vector_load %arg8[%swap3A] {strides = array<i32>} : memref<320xf32, #tpu.memory_space<vmem>>, vector<16xf32>,
    tpu.vector_store %arg8[%swap3A], %gather3A {strides = array<i32>} : memref<320xf32, #tpu.memory_space<vmem>>, vector<16xf32>,
    %swap3A_42 = arith.constant 16 : index
    %swap3A_43 = tpu.vector_load %arg8[%swap3A_42] {strides = array<i32>} : memref<320xf32, #tpu.memory_space<vmem>>, vector<16xf32>,
    tpu.vector_store %arg8[%swap3A_42], %gather3A_34 {strides = array<i32>} : memref<320xf32, #tpu.memory_space<vmem>>, vector<16xf32>,
    %dma_wait3A_44 = tpu.memref_slice %arg2[%mul3A_15] : memref<1280000xf32, #tpu.memory_space<hbm>> -> memref<4096xf32, #tpu.memory_space<hbm>>
    %dma_wait3A_45 = tpu.memref_slice %arg2[%mul3A_15] : memref<1280000xf32, #tpu.memory_space<hbm>> -> memref<4096xf32, #tpu.memory_space<hbm>>
    tpu.wait_dma2 semaphore(%arg10 : memref<!tpu.dma_semaphore, #tpu.memory_space<semaphore_mem>>) src(%dma_wait3A_45 : memref<4096xf32, #tpu.memory_space<hbm>>) dst(%arg5 : memref<4096xf32, #tpu.memory_space<vmem>>)
    %gather3A_46 = tpu.vector_load_idx %arg5[%mul3A_6] : memref<4096xf32, #tpu.memory_space<vmem>>[vector<16xi32>], vector<16xf32>,
    %add3A_47 = arith.constant 2048 : i32
    %add3A_48 = vector.broadcast %add3A_47 : i32 to vector<16xi32>
    %add3A_49 = arith.addi %mul3A_6, %add3A_48 : vector<16xi32>
    %gather3A_50 = tpu.vector_load_idx %arg5[%add3A_49] : memref<4096xf32, #tpu.memory_space<vmem>>[vector<16xi32>], vector<16xf32>,
    %add3A_51 = arith.constant 160 : i32
    %add3A_52 = arith.addi %min3A_3, %add3A_51 : i32
    %mul3A_53 = arith.constant 128 : i32
    %mul3A_54 = arith.muli %add3A_52, %mul3A_53 : i32
    %dma_start3A_55 = tpu.memref_slice %arg2[%mul3A_54] : memref<1280000xf32, #tpu.memory_space<hbm>> -> memref<4096xf32, #tpu.memory_space<hbm>>
    %dma_start3A_56 = tpu.memref_slice %arg2[%mul3A_54] : memref<1280000xf32, #tpu.memory_space<hbm>> -> memref<4096xf32, #tpu.memory_space<hbm>>
    tpu.enqueue_dma source(%dma_start3A_56 : memref<4096xf32, #tpu.memory_space<hbm>>) target(%arg5 : memref<4096xf32, #tpu.memory_space<vmem>>) target_semaphore(%arg10 : memref<!tpu.dma_semaphore, #tpu.memory_space<semaphore_mem>>)
    %swap3A_57 = arith.constant 32 : index
    %swap3A_58 = tpu.vector_load %arg8[%swap3A_57] {strides = array<i32>} : memref<320xf32, #tpu.memory_space<vmem>>, vector<16xf32>,
    tpu.vector_store %arg8[%swap3A_57], %gather3A_46 {strides = array<i32>} : memref<320xf32, #tpu.memory_space<vmem>>, vector<16xf32>,
    %swap3A_59 = arith.constant 48 : index
    %swap3A_60 = tpu.vector_load %arg8[%swap3A_59] {strides = array<i32>} : memref<320xf32, #tpu.memory_space<vmem>>, vector<16xf32>,
    tpu.vector_store %arg8[%swap3A_59], %gather3A_50 {strides = array<i32>} : memref<320xf32, #tpu.memory_space<vmem>>, vector<16xf32>,
    %dma_wait3A_61 = tpu.memref_slice %arg2[%mul3A_21] : memref<1280000xf32, #tpu.memory_space<hbm>> -> memref<4096xf32, #tpu.memory_space<hbm>>
    %dma_wait3A_62 = tpu.memref_slice %arg2[%mul3A_21] : memref<1280000xf32, #tpu.memory_space<hbm>> -> memref<4096xf32, #tpu.memory_space<hbm>>
    tpu.wait_dma2 semaphore(%arg11 : memref<!tpu.dma_semaphore, #tpu.memory_space<semaphore_mem>>) src(%dma_wait3A_62 : memref<4096xf32, #tpu.memory_space<hbm>>) dst(%arg6 : memref<4096xf32, #tpu.memory_space<vmem>>)
    %gather3A_63 = tpu.vector_load_idx %arg6[%mul3A_6] : memref<4096xf32, #tpu.memory_space<vmem>>[vector<16xi32>], vector<16xf32>,
    %add3A_64 = arith.constant 2048 : i32
    %add3A_65 = vector.broadcast %add3A_64 : i32 to vector<16xi32>
    %add3A_66 = arith.addi %mul3A_6, %add3A_65 : vector<16xi32>
    %gather3A_67 = tpu.vector_load_idx %arg6[%add3A_66] : memref<4096xf32, #tpu.memory_space<vmem>>[vector<16xi32>], vector<16xf32>,
    %add3A_68 = arith.constant 192 : i32
    %add3A_69 = arith.addi %min3A_3, %add3A_68 : i32
    %mul3A_70 = arith.constant 128 : i32
    %mul3A_71 = arith.muli %add3A_69, %mul3A_70 : i32
    %dma_start3A_72 = tpu.memref_slice %arg2[%mul3A_71] : memref<1280000xf32, #tpu.memory_space<hbm>> -> memref<4096xf32, #tpu.memory_space<hbm>>
    %dma_start3A_73 = tpu.memref_slice %arg2[%mul3A_71] : memref<1280000xf32, #tpu.memory_space<hbm>> -> memref<4096xf32, #tpu.memory_space<hbm>>
    tpu.enqueue_dma source(%dma_start3A_73 : memref<4096xf32, #tpu.memory_space<hbm>>) target(%arg6 : memref<4096xf32, #tpu.memory_space<vmem>>) target_semaphore(%arg11 : memref<!tpu.dma_semaphore, #tpu.memory_space<semaphore_mem>>)
    %swap3A_74 = arith.constant 64 : index
    %swap3A_75 = tpu.vector_load %arg8[%swap3A_74] {strides = array<i32>} : memref<320xf32, #tpu.memory_space<vmem>>, vector<16xf32>,
    tpu.vector_store %arg8[%swap3A_74], %gather3A_63 {strides = array<i32>} : memref<320xf32, #tpu.memory_space<vmem>>, vector<16xf32>,
    %swap3A_76 = arith.constant 80 : index
    %swap3A_77 = tpu.vector_load %arg8[%swap3A_76] {strides = array<i32>} : memref<320xf32, #tpu.memory_space<vmem>>, vector<16xf32>,
    tpu.vector_store %arg8[%swap3A_76], %gather3A_67 {strides = array<i32>} : memref<320xf32, #tpu.memory_space<vmem>>, vector<16xf32>,
    %dma_wait3A_78 = tpu.memref_slice %arg2[%mul3A_27] : memref<1280000xf32, #tpu.memory_space<hbm>> -> memref<4096xf32, #tpu.memory_space<hbm>>
    %dma_wait3A_79 = tpu.memref_slice %arg2[%mul3A_27] : memref<1280000xf32, #tpu.memory_space<hbm>> -> memref<4096xf32, #tpu.memory_space<hbm>>
    tpu.wait_dma2 semaphore(%arg12 : memref<!tpu.dma_semaphore, #tpu.memory_space<semaphore_mem>>) src(%dma_wait3A_79 : memref<4096xf32, #tpu.memory_space<hbm>>) dst(%arg7 : memref<4096xf32, #tpu.memory_space<vmem>>)
    %gather3A_80 = tpu.vector_load_idx %arg7[%mul3A_6] : memref<4096xf32, #tpu.memory_space<vmem>>[vector<16xi32>], vector<16xf32>,
    %add3A_81 = arith.constant 2048 : i32
    %add3A_82 = vector.broadcast %add3A_81 : i32 to vector<16xi32>
    %add3A_83 = arith.addi %mul3A_6, %add3A_82 : vector<16xi32>
    %gather3A_84 = tpu.vector_load_idx %arg7[%add3A_83] : memref<4096xf32, #tpu.memory_space<vmem>>[vector<16xi32>], vector<16xf32>,
    %add3A_85 = arith.constant 224 : i32
    %add3A_86 = arith.addi %min3A_3, %add3A_85 : i32
    %mul3A_87 = arith.constant 128 : i32
    %mul3A_88 = arith.muli %add3A_86, %mul3A_87 : i32
    %dma_start3A_89 = tpu.memref_slice %arg2[%mul3A_88] : memref<1280000xf32, #tpu.memory_space<hbm>> -> memref<4096xf32, #tpu.memory_space<hbm>>
    %dma_start3A_90 = tpu.memref_slice %arg2[%mul3A_88] : memref<1280000xf32, #tpu.memory_space<hbm>> -> memref<4096xf32, #tpu.memory_space<hbm>>
    tpu.enqueue_dma source(%dma_start3A_90 : memref<4096xf32, #tpu.memory_space<hbm>>) target(%arg7 : memref<4096xf32, #tpu.memory_space<vmem>>) target_semaphore(%arg12 : memref<!tpu.dma_semaphore, #tpu.memory_space<semaphore_mem>>)
    %swap3A_91 = arith.constant 96 : index
    %swap3A_92 = tpu.vector_load %arg8[%swap3A_91] {strides = array<i32>} : memref<320xf32, #tpu.memory_space<vmem>>, vector<16xf32>,
    tpu.vector_store %arg8[%swap3A_91], %gather3A_80 {strides = array<i32>} : memref<320xf32, #tpu.memory_space<vmem>>, vector<16xf32>,
    %swap3A_93 = arith.constant 112 : index
    %swap3A_94 = tpu.vector_load %arg8[%swap3A_93] {strides = array<i32>} : memref<320xf32, #tpu.memory_space<vmem>>, vector<16xf32>,
    tpu.vector_store %arg8[%swap3A_93], %gather3A_84 {strides = array<i32>} : memref<320xf32, #tpu.memory_space<vmem>>, vector<16xf32>,
    %dma_wait3A_95 = tpu.memref_slice %arg2[%mul3A_38] : memref<1280000xf32, #tpu.memory_space<hbm>> -> memref<4096xf32, #tpu.memory_space<hbm>>
    %dma_wait3A_96 = tpu.memref_slice %arg2[%mul3A_38] : memref<1280000xf32, #tpu.memory_space<hbm>> -> memref<4096xf32, #tpu.memory_space<hbm>>
    tpu.wait_dma2 semaphore(%arg9 : memref<!tpu.dma_semaphore, #tpu.memory_space<semaphore_mem>>) src(%dma_wait3A_96 : memref<4096xf32, #tpu.memory_space<hbm>>) dst(%arg4 : memref<4096xf32, #tpu.memory_space<vmem>>)
    %gather3A_97 = tpu.vector_load_idx %arg4[%mul3A_6] : memref<4096xf32, #tpu.memory_space<vmem>>[vector<16xi32>], vector<16xf32>,
    %add3A_98 = arith.constant 2048 : i32
    %add3A_99 = vector.broadcast %add3A_98 : i32 to vector<16xi32>
    %add3A_100 = arith.addi %mul3A_6, %add3A_99 : vector<16xi32>
    %gather3A_101 = tpu.vector_load_idx %arg4[%add3A_100] : memref<4096xf32, #tpu.memory_space<vmem>>[vector<16xi32>], vector<16xf32>,
    %add3A_102 = arith.constant 256 : i32
    %add3A_103 = arith.addi %min3A_3, %add3A_102 : i32
    %mul3A_104 = arith.constant 128 : i32
    %mul3A_105 = arith.muli %add3A_103, %mul3A_104 : i32
    %dma_start3A_106 = tpu.memref_slice %arg2[%mul3A_105] : memref<1280000xf32, #tpu.memory_space<hbm>> -> memref<4096xf32, #tpu.memory_space<hbm>>
    %dma_start3A_107 = tpu.memref_slice %arg2[%mul3A_105] : memref<1280000xf32, #tpu.memory_space<hbm>> -> memref<4096xf32, #tpu.memory_space<hbm>>
    tpu.enqueue_dma source(%dma_start3A_107 : memref<4096xf32, #tpu.memory_space<hbm>>) target(%arg4 : memref<4096xf32, #tpu.memory_space<vmem>>) target_semaphore(%arg9 : memref<!tpu.dma_semaphore, #tpu.memory_space<semaphore_mem>>)
    %swap3A_108 = arith.constant 128 : index
    %swap3A_109 = tpu.vector_load %arg8[%swap3A_108] {strides = array<i32>} : memref<320xf32, #tpu.memory_space<vmem>>, vector<16xf32>,
    tpu.vector_store %arg8[%swap3A_108], %gather3A_97 {strides = array<i32>} : memref<320xf32, #tpu.memory_space<vmem>>, vector<16xf32>,
    %swap3A_110 = arith.constant 144 : index
    %swap3A_111 = tpu.vector_load %arg8[%swap3A_110] {strides = array<i32>} : memref<320xf32, #tpu.memory_space<vmem>>, vector<16xf32>,
    tpu.vector_store %arg8[%swap3A_110], %gather3A_101 {strides = array<i32>} : memref<320xf32, #tpu.memory_space<vmem>>, vector<16xf32>,
    %dma_wait3A_112 = tpu.memref_slice %arg2[%mul3A_54] : memref<1280000xf32, #tpu.memory_space<hbm>> -> memref<4096xf32, #tpu.memory_space<hbm>>
    %dma_wait3A_113 = tpu.memref_slice %arg2[%mul3A_54] : memref<1280000xf32, #tpu.memory_space<hbm>> -> memref<4096xf32, #tpu.memory_space<hbm>>
    tpu.wait_dma2 semaphore(%arg10 : memref<!tpu.dma_semaphore, #tpu.memory_space<semaphore_mem>>) src(%dma_wait3A_113 : memref<4096xf32, #tpu.memory_space<hbm>>) dst(%arg5 : memref<4096xf32, #tpu.memory_space<vmem>>)
    %gather3A_114 = tpu.vector_load_idx %arg5[%mul3A_6] : memref<4096xf32, #tpu.memory_space<vmem>>[vector<16xi32>], vector<16xf32>,
    %add3A_115 = arith.constant 2048 : i32
    %add3A_116 = vector.broadcast %add3A_115 : i32 to vector<16xi32>
    %add3A_117 = arith.addi %mul3A_6, %add3A_116 : vector<16xi32>
    %gather3A_118 = tpu.vector_load_idx %arg5[%add3A_117] : memref<4096xf32, #tpu.memory_space<vmem>>[vector<16xi32>], vector<16xf32>,
    %add3A_119 = arith.constant 288 : i32
    %add3A_120 = arith.addi %min3A_3, %add3A_119 : i32
    %mul3A_121 = arith.constant 128 : i32
    %mul3A_122 = arith.muli %add3A_120, %mul3A_121 : i32
    %dma_start3A_123 = tpu.memref_slice %arg2[%mul3A_122] : memref<1280000xf32, #tpu.memory_space<hbm>> -> memref<4096xf32, #tpu.memory_space<hbm>>
    %dma_start3A_124 = tpu.memref_slice %arg2[%mul3A_122] : memref<1280000xf32, #tpu.memory_space<hbm>> -> memref<4096xf32, #tpu.memory_space<hbm>>
    tpu.enqueue_dma source(%dma_start3A_124 : memref<4096xf32, #tpu.memory_space<hbm>>) target(%arg5 : memref<4096xf32, #tpu.memory_space<vmem>>) target_semaphore(%arg10 : memref<!tpu.dma_semaphore, #tpu.memory_space<semaphore_mem>>)
    %swap3A_125 = arith.constant 160 : index
    %swap3A_126 = tpu.vector_load %arg8[%swap3A_125] {strides = array<i32>} : memref<320xf32, #tpu.memory_space<vmem>>, vector<16xf32>,
    tpu.vector_store %arg8[%swap3A_125], %gather3A_114 {strides = array<i32>} : memref<320xf32, #tpu.memory_space<vmem>>, vector<16xf32>,
    %swap3A_127 = arith.constant 176 : index
    %swap3A_128 = tpu.vector_load %arg8[%swap3A_127] {strides = array<i32>} : memref<320xf32, #tpu.memory_space<vmem>>, vector<16xf32>,
    tpu.vector_store %arg8[%swap3A_127], %gather3A_118 {strides = array<i32>} : memref<320xf32, #tpu.memory_space<vmem>>, vector<16xf32>,
    %dma_wait3A_129 = tpu.memref_slice %arg2[%mul3A_71] : memref<1280000xf32, #tpu.memory_space<hbm>> -> memref<4096xf32, #tpu.memory_space<hbm>>
    %dma_wait3A_130 = tpu.memref_slice %arg2[%mul3A_71] : memref<1280000xf32, #tpu.memory_space<hbm>> -> memref<4096xf32, #tpu.memory_space<hbm>>
    tpu.wait_dma2 semaphore(%arg11 : memref<!tpu.dma_semaphore, #tpu.memory_space<semaphore_mem>>) src(%dma_wait3A_130 : memref<4096xf32, #tpu.memory_space<hbm>>) dst(%arg6 : memref<4096xf32, #tpu.memory_space<vmem>>)
    %gather3A_131 = tpu.vector_load_idx %arg6[%mul3A_6] : memref<4096xf32, #tpu.memory_space<vmem>>[vector<16xi32>], vector<16xf32>,
    %add3A_132 = arith.constant 2048 : i32
    %add3A_133 = vector.broadcast %add3A_132 : i32 to vector<16xi32>
    %add3A_134 = arith.addi %mul3A_6, %add3A_133 : vector<16xi32>
    %gather3A_135 = tpu.vector_load_idx %arg6[%add3A_134] : memref<4096xf32, #tpu.memory_space<vmem>>[vector<16xi32>], vector<16xf32>,
    %swap3A_136 = arith.constant 192 : index
    %swap3A_137 = tpu.vector_load %arg8[%swap3A_136] {strides = array<i32>} : memref<320xf32, #tpu.memory_space<vmem>>, vector<16xf32>,
    tpu.vector_store %arg8[%swap3A_136], %gather3A_131 {strides = array<i32>} : memref<320xf32, #tpu.memory_space<vmem>>, vector<16xf32>,
    %swap3A_138 = arith.constant 208 : index
    %swap3A_139 = tpu.vector_load %arg8[%swap3A_138] {strides = array<i32>} : memref<320xf32, #tpu.memory_space<vmem>>, vector<16xf32>,
    tpu.vector_store %arg8[%swap3A_138], %gather3A_135 {strides = array<i32>} : memref<320xf32, #tpu.memory_space<vmem>>, vector<16xf32>,
    %dma_wait3A_140 = tpu.memref_slice %arg2[%mul3A_88] : memref<1280000xf32, #tpu.memory_space<hbm>> -> memref<4096xf32, #tpu.memory_space<hbm>>
    %dma_wait3A_141 = tpu.memref_slice %arg2[%mul3A_88] : memref<1280000xf32, #tpu.memory_space<hbm>> -> memref<4096xf32, #tpu.memory_space<hbm>>
    tpu.wait_dma2 semaphore(%arg12 : memref<!tpu.dma_semaphore, #tpu.memory_space<semaphore_mem>>) src(%dma_wait3A_141 : memref<4096xf32, #tpu.memory_space<hbm>>) dst(%arg7 : memref<4096xf32, #tpu.memory_space<vmem>>)
    %gather3A_142 = tpu.vector_load_idx %arg7[%mul3A_6] : memref<4096xf32, #tpu.memory_space<vmem>>[vector<16xi32>], vector<16xf32>,
    %add3A_143 = arith.constant 2048 : i32
    %add3A_144 = vector.broadcast %add3A_143 : i32 to vector<16xi32>
    %add3A_145 = arith.addi %mul3A_6, %add3A_144 : vector<16xi32>
    %gather3A_146 = tpu.vector_load_idx %arg7[%add3A_145] : memref<4096xf32, #tpu.memory_space<vmem>>[vector<16xi32>], vector<16xf32>,
    %swap3A_147 = arith.constant 224 : index
    %swap3A_148 = tpu.vector_load %arg8[%swap3A_147] {strides = array<i32>} : memref<320xf32, #tpu.memory_space<vmem>>, vector<16xf32>,
    tpu.vector_store %arg8[%swap3A_147], %gather3A_142 {strides = array<i32>} : memref<320xf32, #tpu.memory_space<vmem>>, vector<16xf32>,
    %swap3A_149 = arith.constant 240 : index
    %swap3A_150 = tpu.vector_load %arg8[%swap3A_149] {strides = array<i32>} : memref<320xf32, #tpu.memory_space<vmem>>, vector<16xf32>,
    tpu.vector_store %arg8[%swap3A_149], %gather3A_146 {strides = array<i32>} : memref<320xf32, #tpu.memory_space<vmem>>, vector<16xf32>,
    %dma_wait3A_151 = tpu.memref_slice %arg2[%mul3A_105] : memref<1280000xf32, #tpu.memory_space<hbm>> -> memref<4096xf32, #tpu.memory_space<hbm>>
    %dma_wait3A_152 = tpu.memref_slice %arg2[%mul3A_105] : memref<1280000xf32, #tpu.memory_space<hbm>> -> memref<4096xf32, #tpu.memory_space<hbm>>
    tpu.wait_dma2 semaphore(%arg9 : memref<!tpu.dma_semaphore, #tpu.memory_space<semaphore_mem>>) src(%dma_wait3A_152 : memref<4096xf32, #tpu.memory_space<hbm>>) dst(%arg4 : memref<4096xf32, #tpu.memory_space<vmem>>)
    %gather3A_153 = tpu.vector_load_idx %arg4[%mul3A_6] : memref<4096xf32, #tpu.memory_space<vmem>>[vector<16xi32>], vector<16xf32>,
    %add3A_154 = arith.constant 2048 : i32
    %add3A_155 = vector.broadcast %add3A_154 : i32 to vector<16xi32>
    %add3A_156 = arith.addi %mul3A_6, %add3A_155 : vector<16xi32>
    %gather3A_157 = tpu.vector_load_idx %arg4[%add3A_156] : memref<4096xf32, #tpu.memory_space<vmem>>[vector<16xi32>], vector<16xf32>,
    %swap3A_158 = arith.constant 256 : index
    %swap3A_159 = tpu.vector_load %arg8[%swap3A_158] {strides = array<i32>} : memref<320xf32, #tpu.memory_space<vmem>>, vector<16xf32>,
    tpu.vector_store %arg8[%swap3A_158], %gather3A_153 {strides = array<i32>} : memref<320xf32, #tpu.memory_space<vmem>>, vector<16xf32>,
    %swap3A_160 = arith.constant 272 : index
    %swap3A_161 = tpu.vector_load %arg8[%swap3A_160] {strides = array<i32>} : memref<320xf32, #tpu.memory_space<vmem>>, vector<16xf32>,
    tpu.vector_store %arg8[%swap3A_160], %gather3A_157 {strides = array<i32>} : memref<320xf32, #tpu.memory_space<vmem>>, vector<16xf32>,
    %dma_wait3A_162 = tpu.memref_slice %arg2[%mul3A_122] : memref<1280000xf32, #tpu.memory_space<hbm>> -> memref<4096xf32, #tpu.memory_space<hbm>>
    %dma_wait3A_163 = tpu.memref_slice %arg2[%mul3A_122] : memref<1280000xf32, #tpu.memory_space<hbm>> -> memref<4096xf32, #tpu.memory_space<hbm>>
    tpu.wait_dma2 semaphore(%arg10 : memref<!tpu.dma_semaphore, #tpu.memory_space<semaphore_mem>>) src(%dma_wait3A_163 : memref<4096xf32, #tpu.memory_space<hbm>>) dst(%arg5 : memref<4096xf32, #tpu.memory_space<vmem>>)
    %gather3A_164 = tpu.vector_load_idx %arg5[%mul3A_6] : memref<4096xf32, #tpu.memory_space<vmem>>[vector<16xi32>], vector<16xf32>,
    %add3A_165 = arith.constant 2048 : i32
    %add3A_166 = vector.broadcast %add3A_165 : i32 to vector<16xi32>
    %add3A_167 = arith.addi %mul3A_6, %add3A_166 : vector<16xi32>
    %gather3A_168 = tpu.vector_load_idx %arg5[%add3A_167] : memref<4096xf32, #tpu.memory_space<vmem>>[vector<16xi32>], vector<16xf32>,
    %swap3A_169 = arith.constant 288 : index
    %swap3A_170 = tpu.vector_load %arg8[%swap3A_169] {strides = array<i32>} : memref<320xf32, #tpu.memory_space<vmem>>, vector<16xf32>,
    tpu.vector_store %arg8[%swap3A_169], %gather3A_164 {strides = array<i32>} : memref<320xf32, #tpu.memory_space<vmem>>, vector<16xf32>,
    %swap3A_171 = arith.constant 304 : index
    %swap3A_172 = tpu.vector_load %arg8[%swap3A_171] {strides = array<i32>} : memref<320xf32, #tpu.memory_space<vmem>>, vector<16xf32>,
    tpu.vector_store %arg8[%swap3A_171], %gather3A_168 {strides = array<i32>} : memref<320xf32, #tpu.memory_space<vmem>>, vector<16xf32>,
    "tpu.region"() ({
      %run_scoped3A = tpu.sem_alloc : memref<!tpu.dma_semaphore, #tpu.memory_space<semaphore_mem>>
      %dma_start3A_173 = tpu.memref_slice %arg3[%min3A_3] : memref<10000xf32, #tpu.memory_space<hbm>> -> memref<320xf32, #tpu.memory_space<hbm>>
      %dma_start3A_174 = tpu.memref_slice %arg3[%min3A_3] : memref<10000xf32, #tpu.memory_space<hbm>> -> memref<320xf32, #tpu.memory_space<hbm>>
      tpu.enqueue_dma source(%arg8 : memref<320xf32, #tpu.memory_space<vmem>>) target(%dma_start3A_174 : memref<320xf32, #tpu.memory_space<hbm>>) target_semaphore(%run_scoped3A : memref<!tpu.dma_semaphore, #tpu.memory_space<semaphore_mem>>)
      %dma_wait3A_175 = tpu.memref_slice %arg3[%min3A_3] : memref<10000xf32, #tpu.memory_space<hbm>> -> memref<320xf32, #tpu.memory_space<hbm>>
      %dma_wait3A_176 = tpu.memref_slice %arg3[%min3A_3] : memref<10000xf32, #tpu.memory_space<hbm>> -> memref<320xf32, #tpu.memory_space<hbm>>
      tpu.wait_dma2 semaphore(%run_scoped3A : memref<!tpu.dma_semaphore, #tpu.memory_space<semaphore_mem>>) src(%arg8 : memref<320xf32, #tpu.memory_space<vmem>>) dst(%dma_wait3A_176 : memref<320xf32, #tpu.memory_space<hbm>>)
      tpu.yield
    }) : () -> ()
    return
  }
}

#map = affine_map<(d0, d1) -> (0)>
#map1 = affine_map<(d0, d1) -> (0, 0)>
module attributes {stable_mosaic.version = 14 : i64} {
  func.func @_sc_body(%arg0: i32, %arg1: i32, %arg2: memref<10000xf32, #tpu.memory_space<hbm>>, %arg3: memref<320000xi32, #tpu.memory_space<hbm>>, %arg4: memref<160000xf32, #tpu.memory_space<hbm>>, %arg5: memref<160000xf32, #tpu.memory_space<hbm>>, %arg6: memref<160000xf32, #tpu.memory_space<hbm>>, %arg7: memref<2x10240xf32, #tpu.memory_space<hbm>>, %arg8: memref<10000xf32, #tpu.memory_space<vmem>>, %arg9: memref<5000xi32, #tpu.memory_space<vmem>>, %arg10: memref<5000xi32, #tpu.memory_space<vmem>>, %arg11: memref<5000xf32, #tpu.memory_space<vmem>>, %arg12: memref<5000xf32, #tpu.memory_space<vmem>>, %arg13: memref<5000xf32, #tpu.memory_space<vmem>>, %arg14: memref<10240xf32, #tpu.memory_space<vmem>>, %arg15: memref<16x640xf32, #tpu.memory_space<vmem>>, %arg16: memref<640xf32, #tpu.memory_space<vmem>>, %arg17: memref<16x10240xf32, #tpu.memory_space<vmem_shared>>, %arg18: memref<!tpu.dma_semaphore, #tpu.memory_space<semaphore_mem>>, %arg19: memref<!tpu.dma_semaphore, #tpu.memory_space<semaphore_mem>>, %arg20: memref<!tpu.dma_semaphore, #tpu.memory_space<semaphore_mem>>, %arg21: memref<!tpu.dma_semaphore, #tpu.memory_space<semaphore_mem>>, %arg22: memref<!tpu.dma_semaphore, #tpu.memory_space<semaphore_mem>>, %arg23: memref<!tpu.dma_semaphore, #tpu.memory_space<semaphore_mem>>) attributes {dimension_semantics = [#tpu.dimension_semantics<core_parallel>, #tpu.dimension_semantics<subcore_parallel>], iteration_bounds = array<i64: 2, 16>, scalar_prefetch = 0 : i64, scratch_operands = 16 : i64, tpu.core_type = #tpu.core_type<sc_vector_subcore>, window_params = [{transform_indices = #map}, {transform_indices = #map}, {transform_indices = #map}, {transform_indices = #map}, {transform_indices = #map}, {transform_indices = #map1}]} {
    %mul3A = arith.constant 16 : i32
    %mul3A_0 = arith.muli %arg0, %mul3A : i32
    %add3A = arith.addi %mul3A_0, %arg1 : i32
    %mul3A_1 = arith.constant 5000 : i32
    %mul3A_2 = arith.muli %add3A, %mul3A_1 : i32
    tpu.enqueue_dma source(%arg2 : memref<10000xf32, #tpu.memory_space<hbm>>) target(%arg8 : memref<10000xf32, #tpu.memory_space<vmem>>) target_semaphore(%arg23 : memref<!tpu.dma_semaphore, #tpu.memory_space<semaphore_mem>>)
    %dma_start3A = tpu.memref_slice %arg3[%mul3A_2] : memref<320000xi32, #tpu.memory_space<hbm>> -> memref<5000xi32, #tpu.memory_space<hbm>>
    %dma_start3A_3 = tpu.memref_slice %arg3[%mul3A_2] : memref<320000xi32, #tpu.memory_space<hbm>> -> memref<5000xi32, #tpu.memory_space<hbm>>
    tpu.enqueue_dma source(%dma_start3A_3 : memref<5000xi32, #tpu.memory_space<hbm>>) target(%arg9 : memref<5000xi32, #tpu.memory_space<vmem>>) target_semaphore(%arg18 : memref<!tpu.dma_semaphore, #tpu.memory_space<semaphore_mem>>)
    %add3A_4 = arith.constant 160000 : i32
    %add3A_5 = arith.addi %add3A_4, %mul3A_2 : i32
    %dma_start3A_6 = tpu.memref_slice %arg3[%add3A_5] : memref<320000xi32, #tpu.memory_space<hbm>> -> memref<5000xi32, #tpu.memory_space<hbm>>
    %dma_start3A_7 = tpu.memref_slice %arg3[%add3A_5] : memref<320000xi32, #tpu.memory_space<hbm>> -> memref<5000xi32, #tpu.memory_space<hbm>>
    tpu.enqueue_dma source(%dma_start3A_7 : memref<5000xi32, #tpu.memory_space<hbm>>) target(%arg10 : memref<5000xi32, #tpu.memory_space<vmem>>) target_semaphore(%arg19 : memref<!tpu.dma_semaphore, #tpu.memory_space<semaphore_mem>>)
    %dma_start3A_8 = tpu.memref_slice %arg4[%mul3A_2] : memref<160000xf32, #tpu.memory_space<hbm>> -> memref<5000xf32, #tpu.memory_space<hbm>>
    %dma_start3A_9 = tpu.memref_slice %arg4[%mul3A_2] : memref<160000xf32, #tpu.memory_space<hbm>> -> memref<5000xf32, #tpu.memory_space<hbm>>
    tpu.enqueue_dma source(%dma_start3A_9 : memref<5000xf32, #tpu.memory_space<hbm>>) target(%arg11 : memref<5000xf32, #tpu.memory_space<vmem>>) target_semaphore(%arg20 : memref<!tpu.dma_semaphore, #tpu.memory_space<semaphore_mem>>)
    %dma_start3A_10 = tpu.memref_slice %arg5[%mul3A_2] : memref<160000xf32, #tpu.memory_space<hbm>> -> memref<5000xf32, #tpu.memory_space<hbm>>
    %dma_start3A_11 = tpu.memref_slice %arg5[%mul3A_2] : memref<160000xf32, #tpu.memory_space<hbm>> -> memref<5000xf32, #tpu.memory_space<hbm>>
    tpu.enqueue_dma source(%dma_start3A_11 : memref<5000xf32, #tpu.memory_space<hbm>>) target(%arg12 : memref<5000xf32, #tpu.memory_space<vmem>>) target_semaphore(%arg21 : memref<!tpu.dma_semaphore, #tpu.memory_space<semaphore_mem>>)
    %dma_start3A_12 = tpu.memref_slice %arg6[%mul3A_2] : memref<160000xf32, #tpu.memory_space<hbm>> -> memref<5000xf32, #tpu.memory_space<hbm>>
    %dma_start3A_13 = tpu.memref_slice %arg6[%mul3A_2] : memref<160000xf32, #tpu.memory_space<hbm>> -> memref<5000xf32, #tpu.memory_space<hbm>>
    tpu.enqueue_dma source(%dma_start3A_13 : memref<5000xf32, #tpu.memory_space<hbm>>) target(%arg13 : memref<5000xf32, #tpu.memory_space<vmem>>) target_semaphore(%arg22 : memref<!tpu.dma_semaphore, #tpu.memory_space<semaphore_mem>>)
    %iota3A = tpu.iota {dimensions = array<i32: 0>} : vector<16xi32>
    %broadcast_in_dim3A = arith.constant 0.000000e+00 : f32
    %broadcast_in_dim3A_14 = vector.broadcast %broadcast_in_dim3A : f32 to vector<16xf32>
    %scan3A = arith.constant 0 : i32
    %scan3A_15 = arith.constant 0 : i32
    %scan3A_16 = arith.constant 640 : i32
    %scan3A_17 = arith.addi %scan3A_15, %scan3A_16 : i32
    %scan3A_18 = arith.constant 8 : i32
    %scan3A_19 = scf.for %scan3A_102 = %scan3A_15 to %scan3A_17 step %scan3A_18 iter_args(%scan3A_103 = %scan3A) -> (i32)  : i32 {
      %mul3A_104 = arith.constant 16 : i32
      %mul3A_105 = arith.muli %scan3A_102, %mul3A_104 : i32
      %swap3A_106 = arith.index_cast %mul3A_105 : i32 to index
      %swap3A_107 = tpu.vector_load %arg14[%swap3A_106] {strides = array<i32>} : memref<10240xf32, #tpu.memory_space<vmem>>, vector<16xf32>,
      tpu.vector_store %arg14[%swap3A_106], %broadcast_in_dim3A_14 {strides = array<i32>} : memref<10240xf32, #tpu.memory_space<vmem>>, vector<16xf32>,
      %scan3A_108 = arith.constant 0 : i32
      %scan3A_109 = arith.constant 1 : i32
      %scan3A_110 = arith.addi %scan3A_102, %scan3A_109 : i32
      %mul3A_111 = arith.constant 16 : i32
      %mul3A_112 = arith.muli %scan3A_110, %mul3A_111 : i32
      %swap3A_113 = arith.index_cast %mul3A_112 : i32 to index
      %swap3A_114 = tpu.vector_load %arg14[%swap3A_113] {strides = array<i32>} : memref<10240xf32, #tpu.memory_space<vmem>>, vector<16xf32>,
      tpu.vector_store %arg14[%swap3A_113], %broadcast_in_dim3A_14 {strides = array<i32>} : memref<10240xf32, #tpu.memory_space<vmem>>, vector<16xf32>,
      %scan3A_115 = arith.constant 0 : i32
      %scan3A_116 = arith.constant 2 : i32
      %scan3A_117 = arith.addi %scan3A_102, %scan3A_116 : i32
      %mul3A_118 = arith.constant 16 : i32
      %mul3A_119 = arith.muli %scan3A_117, %mul3A_118 : i32
      %swap3A_120 = arith.index_cast %mul3A_119 : i32 to index
      %swap3A_121 = tpu.vector_load %arg14[%swap3A_120] {strides = array<i32>} : memref<10240xf32, #tpu.memory_space<vmem>>, vector<16xf32>,
      tpu.vector_store %arg14[%swap3A_120], %broadcast_in_dim3A_14 {strides = array<i32>} : memref<10240xf32, #tpu.memory_space<vmem>>, vector<16xf32>,
      %scan3A_122 = arith.constant 0 : i32
      %scan3A_123 = arith.constant 3 : i32
      %scan3A_124 = arith.addi %scan3A_102, %scan3A_123 : i32
      %mul3A_125 = arith.constant 16 : i32
      %mul3A_126 = arith.muli %scan3A_124, %mul3A_125 : i32
      %swap3A_127 = arith.index_cast %mul3A_126 : i32 to index
      %swap3A_128 = tpu.vector_load %arg14[%swap3A_127] {strides = array<i32>} : memref<10240xf32, #tpu.memory_space<vmem>>, vector<16xf32>,
      tpu.vector_store %arg14[%swap3A_127], %broadcast_in_dim3A_14 {strides = array<i32>} : memref<10240xf32, #tpu.memory_space<vmem>>, vector<16xf32>,
      %scan3A_129 = arith.constant 0 : i32
      %scan3A_130 = arith.constant 4 : i32
      %scan3A_131 = arith.addi %scan3A_102, %scan3A_130 : i32
      %mul3A_132 = arith.constant 16 : i32
      %mul3A_133 = arith.muli %scan3A_131, %mul3A_132 : i32
      %swap3A_134 = arith.index_cast %mul3A_133 : i32 to index
      %swap3A_135 = tpu.vector_load %arg14[%swap3A_134] {strides = array<i32>} : memref<10240xf32, #tpu.memory_space<vmem>>, vector<16xf32>,
      tpu.vector_store %arg14[%swap3A_134], %broadcast_in_dim3A_14 {strides = array<i32>} : memref<10240xf32, #tpu.memory_space<vmem>>, vector<16xf32>,
      %scan3A_136 = arith.constant 0 : i32
      %scan3A_137 = arith.constant 5 : i32
      %scan3A_138 = arith.addi %scan3A_102, %scan3A_137 : i32
      %mul3A_139 = arith.constant 16 : i32
      %mul3A_140 = arith.muli %scan3A_138, %mul3A_139 : i32
      %swap3A_141 = arith.index_cast %mul3A_140 : i32 to index
      %swap3A_142 = tpu.vector_load %arg14[%swap3A_141] {strides = array<i32>} : memref<10240xf32, #tpu.memory_space<vmem>>, vector<16xf32>,
      tpu.vector_store %arg14[%swap3A_141], %broadcast_in_dim3A_14 {strides = array<i32>} : memref<10240xf32, #tpu.memory_space<vmem>>, vector<16xf32>,
      %scan3A_143 = arith.constant 0 : i32
      %scan3A_144 = arith.constant 6 : i32
      %scan3A_145 = arith.addi %scan3A_102, %scan3A_144 : i32
      %mul3A_146 = arith.constant 16 : i32
      %mul3A_147 = arith.muli %scan3A_145, %mul3A_146 : i32
      %swap3A_148 = arith.index_cast %mul3A_147 : i32 to index
      %swap3A_149 = tpu.vector_load %arg14[%swap3A_148] {strides = array<i32>} : memref<10240xf32, #tpu.memory_space<vmem>>, vector<16xf32>,
      tpu.vector_store %arg14[%swap3A_148], %broadcast_in_dim3A_14 {strides = array<i32>} : memref<10240xf32, #tpu.memory_space<vmem>>, vector<16xf32>,
      %scan3A_150 = arith.constant 0 : i32
      %scan3A_151 = arith.constant 7 : i32
      %scan3A_152 = arith.addi %scan3A_102, %scan3A_151 : i32
      %mul3A_153 = arith.constant 16 : i32
      %mul3A_154 = arith.muli %scan3A_152, %mul3A_153 : i32
      %swap3A_155 = arith.index_cast %mul3A_154 : i32 to index
      %swap3A_156 = tpu.vector_load %arg14[%swap3A_155] {strides = array<i32>} : memref<10240xf32, #tpu.memory_space<vmem>>, vector<16xf32>,
      tpu.vector_store %arg14[%swap3A_155], %broadcast_in_dim3A_14 {strides = array<i32>} : memref<10240xf32, #tpu.memory_space<vmem>>, vector<16xf32>,
      %scan3A_157 = arith.constant 0 : i32
      scf.yield %scan3A_157 : i32
    }
    %scan3A_20 = arith.constant 640 : i32
    tpu.wait_dma2 semaphore(%arg23 : memref<!tpu.dma_semaphore, #tpu.memory_space<semaphore_mem>>) src(%arg2 : memref<10000xf32, #tpu.memory_space<hbm>>) dst(%arg8 : memref<10000xf32, #tpu.memory_space<vmem>>)
    %dma_wait3A = tpu.memref_slice %arg3[%mul3A_2] : memref<320000xi32, #tpu.memory_space<hbm>> -> memref<5000xi32, #tpu.memory_space<hbm>>
    %dma_wait3A_21 = tpu.memref_slice %arg3[%mul3A_2] : memref<320000xi32, #tpu.memory_space<hbm>> -> memref<5000xi32, #tpu.memory_space<hbm>>
    tpu.wait_dma2 semaphore(%arg18 : memref<!tpu.dma_semaphore, #tpu.memory_space<semaphore_mem>>) src(%dma_wait3A_21 : memref<5000xi32, #tpu.memory_space<hbm>>) dst(%arg9 : memref<5000xi32, #tpu.memory_space<vmem>>)
    %dma_wait3A_22 = tpu.memref_slice %arg3[%add3A_5] : memref<320000xi32, #tpu.memory_space<hbm>> -> memref<5000xi32, #tpu.memory_space<hbm>>
    %dma_wait3A_23 = tpu.memref_slice %arg3[%add3A_5] : memref<320000xi32, #tpu.memory_space<hbm>> -> memref<5000xi32, #tpu.memory_space<hbm>>
    tpu.wait_dma2 semaphore(%arg19 : memref<!tpu.dma_semaphore, #tpu.memory_space<semaphore_mem>>) src(%dma_wait3A_23 : memref<5000xi32, #tpu.memory_space<hbm>>) dst(%arg10 : memref<5000xi32, #tpu.memory_space<vmem>>)
    %dma_wait3A_24 = tpu.memref_slice %arg4[%mul3A_2] : memref<160000xf32, #tpu.memory_space<hbm>> -> memref<5000xf32, #tpu.memory_space<hbm>>
    %dma_wait3A_25 = tpu.memref_slice %arg4[%mul3A_2] : memref<160000xf32, #tpu.memory_space<hbm>> -> memref<5000xf32, #tpu.memory_space<hbm>>
    tpu.wait_dma2 semaphore(%arg20 : memref<!tpu.dma_semaphore, #tpu.memory_space<semaphore_mem>>) src(%dma_wait3A_25 : memref<5000xf32, #tpu.memory_space<hbm>>) dst(%arg11 : memref<5000xf32, #tpu.memory_space<vmem>>)
    %dma_wait3A_26 = tpu.memref_slice %arg5[%mul3A_2] : memref<160000xf32, #tpu.memory_space<hbm>> -> memref<5000xf32, #tpu.memory_space<hbm>>
    %dma_wait3A_27 = tpu.memref_slice %arg5[%mul3A_2] : memref<160000xf32, #tpu.memory_space<hbm>> -> memref<5000xf32, #tpu.memory_space<hbm>>
    tpu.wait_dma2 semaphore(%arg21 : memref<!tpu.dma_semaphore, #tpu.memory_space<semaphore_mem>>) src(%dma_wait3A_27 : memref<5000xf32, #tpu.memory_space<hbm>>) dst(%arg12 : memref<5000xf32, #tpu.memory_space<vmem>>)
    %dma_wait3A_28 = tpu.memref_slice %arg6[%mul3A_2] : memref<160000xf32, #tpu.memory_space<hbm>> -> memref<5000xf32, #tpu.memory_space<hbm>>
    %dma_wait3A_29 = tpu.memref_slice %arg6[%mul3A_2] : memref<160000xf32, #tpu.memory_space<hbm>> -> memref<5000xf32, #tpu.memory_space<hbm>>
    tpu.wait_dma2 semaphore(%arg22 : memref<!tpu.dma_semaphore, #tpu.memory_space<semaphore_mem>>) src(%dma_wait3A_29 : memref<5000xf32, #tpu.memory_space<hbm>>) dst(%arg13 : memref<5000xf32, #tpu.memory_space<vmem>>)
    %parallel_loop3A = arith.constant 0 : i32
    %parallel_loop3A_30 = arith.constant 312 : i32
    %parallel_loop3A_31 = arith.constant 1 : i32
    scf.for %parallel_loop3A_102 = %parallel_loop3A to %parallel_loop3A_30 step %parallel_loop3A_31  : i32 {
      %parallel_loop3A_103 = arith.constant 16 : i32
      %parallel_loop3A_104 = arith.muli %parallel_loop3A_102, %parallel_loop3A_103 : i32
      %parallel_loop3A_105 = arith.index_cast %parallel_loop3A_104 : i32 to index
      %parallel_loop3A_106 = tpu.vector_load %arg9[%parallel_loop3A_105] {strides = array<i32>} : memref<5000xi32, #tpu.memory_space<vmem>>, vector<16xi32>,
      %parallel_loop3A_107 = arith.index_cast %parallel_loop3A_104 : i32 to index
      %parallel_loop3A_108 = tpu.vector_load %arg10[%parallel_loop3A_107] {strides = array<i32>} : memref<5000xi32, #tpu.memory_space<vmem>>, vector<16xi32>,
      %parallel_loop3A_109 = arith.index_cast %parallel_loop3A_104 : i32 to index
      %parallel_loop3A_110 = tpu.vector_load %arg11[%parallel_loop3A_109] {strides = array<i32>} : memref<5000xf32, #tpu.memory_space<vmem>>, vector<16xf32>,
      %parallel_loop3A_111 = arith.index_cast %parallel_loop3A_104 : i32 to index
      %parallel_loop3A_112 = tpu.vector_load %arg12[%parallel_loop3A_111] {strides = array<i32>} : memref<5000xf32, #tpu.memory_space<vmem>>, vector<16xf32>,
      %parallel_loop3A_113 = arith.index_cast %parallel_loop3A_104 : i32 to index
      %parallel_loop3A_114 = tpu.vector_load %arg13[%parallel_loop3A_113] {strides = array<i32>} : memref<5000xf32, #tpu.memory_space<vmem>>, vector<16xf32>,
      %parallel_loop3A_115 = tpu.vector_load_idx %arg8[%parallel_loop3A_106] : memref<10000xf32, #tpu.memory_space<vmem>>[vector<16xi32>], vector<16xf32>,
      %parallel_loop3A_116 = tpu.vector_load_idx %arg8[%parallel_loop3A_108] : memref<10000xf32, #tpu.memory_space<vmem>>[vector<16xi32>], vector<16xf32>,
      %parallel_loop3A_117 = arith.addf %parallel_loop3A_112, %parallel_loop3A_114 : vector<16xf32>
      %parallel_loop3A_118 = arith.constant 9.99999997E-7 : f32
      %parallel_loop3A_119 = vector.broadcast %parallel_loop3A_118 : f32 to vector<16xf32>
      %parallel_loop3A_120 = arith.addf %parallel_loop3A_117, %parallel_loop3A_119 : vector<16xf32>
      %parallel_loop3A_121 = arith.subf %parallel_loop3A_115, %parallel_loop3A_116 : vector<16xf32>
      %parallel_loop3A_122 = math.absf %parallel_loop3A_121 : vector<16xf32>
      %parallel_loop3A_123 = arith.constant 0.000000e+00 : f32
      %parallel_loop3A_124 = vector.broadcast %parallel_loop3A_123 : f32 to vector<16xf32>
      %parallel_loop3A_125 = arith.subf %parallel_loop3A_124, %parallel_loop3A_110 : vector<16xf32>
      %parallel_loop3A_126 = math.exp %parallel_loop3A_125 : vector<16xf32>
      %parallel_loop3A_127 = arith.constant 1.000000e+00 : f32
      %parallel_loop3A_128 = vector.broadcast %parallel_loop3A_127 : f32 to vector<16xf32>
      %parallel_loop3A_129 = arith.addf %parallel_loop3A_128, %parallel_loop3A_126 : vector<16xf32>
      %parallel_loop3A_130 = arith.mulf %parallel_loop3A_120, %parallel_loop3A_129 : vector<16xf32>
      %parallel_loop3A_131 = arith.divf %parallel_loop3A_122, %parallel_loop3A_130 : vector<16xf32>
      tpu.vector_store_idx %arg14[%parallel_loop3A_108], %parallel_loop3A_131 {add = true} : memref<10240xf32, #tpu.memory_space<vmem>>[vector<16xi32>], vector<16xf32>,
      %parallel_loop3A_132 = arith.constant 0.000000e+00 : f32
      %parallel_loop3A_133 = vector.broadcast %parallel_loop3A_132 : f32 to vector<16xf32>
      %parallel_loop3A_134 = arith.subf %parallel_loop3A_133, %parallel_loop3A_131 : vector<16xf32>
      tpu.vector_store_idx %arg14[%parallel_loop3A_106], %parallel_loop3A_134 {add = true} : memref<10240xf32, #tpu.memory_space<vmem>>[vector<16xi32>], vector<16xf32>,
    } {sc.loop_unroll_factor = 4 : i64, sc.parallel_access}
    %ge3A = arith.constant 8 : i32
    %ge3A_32 = vector.broadcast %ge3A : i32 to vector<16xi32>
    %ge3A_33 = arith.cmpi sge, %iota3A, %ge3A_32 : vector<16xi32>
    %get3A = arith.constant 4984 : index
    %get3A_34 = tpu.vector_load %arg9[%get3A] {strides = array<i32>} : memref<5000xi32, #tpu.memory_space<vmem>>, vector<16xi32>,
    %get3A_35 = arith.constant 4984 : index
    %get3A_36 = tpu.vector_load %arg10[%get3A_35] {strides = array<i32>} : memref<5000xi32, #tpu.memory_space<vmem>>, vector<16xi32>,
    %jit3A = arith.constant 0 : i32
    %broadcast_in_dim3A_37 = vector.broadcast %jit3A : i32 to vector<16xi32>
    %select_n3A = arith.select %ge3A_33, %get3A_34, %broadcast_in_dim3A_37 : vector<16xi1>, vector<16xi32>
    %jit3A_38 = arith.constant 0 : i32
    %broadcast_in_dim3A_39 = vector.broadcast %jit3A_38 : i32 to vector<16xi32>
    %select_n3A_40 = arith.select %ge3A_33, %get3A_36, %broadcast_in_dim3A_39 : vector<16xi1>, vector<16xi32>
    %get3A_41 = arith.constant 4984 : index
    %get3A_42 = tpu.vector_load %arg11[%get3A_41] {strides = array<i32>} : memref<5000xf32, #tpu.memory_space<vmem>>, vector<16xf32>,
    %get3A_43 = arith.constant 4984 : index
    %get3A_44 = tpu.vector_load %arg12[%get3A_43] {strides = array<i32>} : memref<5000xf32, #tpu.memory_space<vmem>>, vector<16xf32>,
    %get3A_45 = arith.constant 4984 : index
    %get3A_46 = tpu.vector_load %arg13[%get3A_45] {strides = array<i32>} : memref<5000xf32, #tpu.memory_space<vmem>>, vector<16xf32>,
    %gather3A = tpu.vector_load_idx %arg8[%select_n3A] : memref<10000xf32, #tpu.memory_space<vmem>>[vector<16xi32>], vector<16xf32>,
    %gather3A_47 = tpu.vector_load_idx %arg8[%select_n3A_40] : memref<10000xf32, #tpu.memory_space<vmem>>[vector<16xi32>], vector<16xf32>,
    %add3A_48 = arith.addf %get3A_44, %get3A_46 : vector<16xf32>
    %add3A_49 = arith.constant 9.99999997E-7 : f32
    %add3A_50 = vector.broadcast %add3A_49 : f32 to vector<16xf32>
    %add3A_51 = arith.addf %add3A_48, %add3A_50 : vector<16xf32>
    %sub3A = arith.subf %gather3A, %gather3A_47 : vector<16xf32>
    %abs3A = math.absf %sub3A : vector<16xf32>
    %neg3A = arith.constant 0.000000e+00 : f32
    %neg3A_52 = vector.broadcast %neg3A : f32 to vector<16xf32>
    %neg3A_53 = arith.subf %neg3A_52, %get3A_42 : vector<16xf32>
    %exp3A = math.exp %neg3A_53 : vector<16xf32>
    %add3A_54 = arith.constant 1.000000e+00 : f32
    %add3A_55 = vector.broadcast %add3A_54 : f32 to vector<16xf32>
    %add3A_56 = arith.addf %add3A_55, %exp3A : vector<16xf32>
    %mul3A_57 = arith.mulf %add3A_51, %add3A_56 : vector<16xf32>
    %div3A = arith.divf %abs3A, %mul3A_57 : vector<16xf32>
    tpu.vector_store_idx %arg14[%select_n3A_40], %div3A {add = true} : memref<10240xf32, #tpu.memory_space<vmem>>[vector<16xi32>], vector<16xf32>,
    %neg3A_58 = arith.constant 0.000000e+00 : f32
    %neg3A_59 = vector.broadcast %neg3A_58 : f32 to vector<16xf32>
    %neg3A_60 = arith.subf %neg3A_59, %div3A : vector<16xf32>
    tpu.vector_store_idx %arg14[%select_n3A], %neg3A_60 {add = true} : memref<10240xf32, #tpu.memory_space<vmem>>[vector<16xi32>], vector<16xf32>,
    %scan3A_61 = arith.constant 0 : i32
    %scan3A_62 = arith.constant 312 : i32
    %scan3A_63 = arith.addi %scan3A_61, %scan3A_62 : i32
    %scan3A_64 = arith.constant 4 : i32
    %scan3A_65:4 = scf.for %scan3A_102 = %scan3A_61 to %scan3A_63 step %scan3A_64 iter_args(%scan3A_103 = %broadcast_in_dim3A_14, %scan3A_104 = %broadcast_in_dim3A_14, %scan3A_105 = %broadcast_in_dim3A_14, %scan3A_106 = %broadcast_in_dim3A_14) -> (vector<16xf32>, vector<16xf32>, vector<16xf32>, vector<16xf32>)  : i32 {
      %mul3A_107 = arith.constant 16 : i32
      %mul3A_108 = arith.muli %scan3A_102, %mul3A_107 : i32
      %get3A_109 = arith.index_cast %mul3A_108 : i32 to index
      %get3A_110 = tpu.vector_load %arg12[%get3A_109] {strides = array<i32>} : memref<5000xf32, #tpu.memory_space<vmem>>, vector<16xf32>,
      %mul3A_111 = arith.constant 16 : i32
      %mul3A_112 = arith.muli %scan3A_102, %mul3A_111 : i32
      %get3A_113 = arith.index_cast %mul3A_112 : i32 to index
      %get3A_114 = tpu.vector_load %arg13[%get3A_113] {strides = array<i32>} : memref<5000xf32, #tpu.memory_space<vmem>>, vector<16xf32>,
      %add3A_115 = arith.addf %scan3A_103, %get3A_110 : vector<16xf32>
      %add3A_116 = arith.addf %scan3A_104, %get3A_114 : vector<16xf32>
      %mul3A_117 = arith.mulf %get3A_110, %get3A_110 : vector<16xf32>
      %add3A_118 = arith.addf %scan3A_105, %mul3A_117 : vector<16xf32>
      %mul3A_119 = arith.mulf %get3A_114, %get3A_114 : vector<16xf32>
      %add3A_120 = arith.addf %scan3A_106, %mul3A_119 : vector<16xf32>
      %scan3A_121 = arith.constant 1 : i32
      %scan3A_122 = arith.addi %scan3A_102, %scan3A_121 : i32
      %mul3A_123 = arith.constant 16 : i32
      %mul3A_124 = arith.muli %scan3A_122, %mul3A_123 : i32
      %get3A_125 = arith.index_cast %mul3A_124 : i32 to index
      %get3A_126 = tpu.vector_load %arg12[%get3A_125] {strides = array<i32>} : memref<5000xf32, #tpu.memory_space<vmem>>, vector<16xf32>,
      %mul3A_127 = arith.constant 16 : i32
      %mul3A_128 = arith.muli %scan3A_122, %mul3A_127 : i32
      %get3A_129 = arith.index_cast %mul3A_128 : i32 to index
      %get3A_130 = tpu.vector_load %arg13[%get3A_129] {strides = array<i32>} : memref<5000xf32, #tpu.memory_space<vmem>>, vector<16xf32>,
      %add3A_131 = arith.addf %add3A_115, %get3A_126 : vector<16xf32>
      %add3A_132 = arith.addf %add3A_116, %get3A_130 : vector<16xf32>
      %mul3A_133 = arith.mulf %get3A_126, %get3A_126 : vector<16xf32>
      %add3A_134 = arith.addf %add3A_118, %mul3A_133 : vector<16xf32>
      %mul3A_135 = arith.mulf %get3A_130, %get3A_130 : vector<16xf32>
      %add3A_136 = arith.addf %add3A_120, %mul3A_135 : vector<16xf32>
      %scan3A_137 = arith.constant 2 : i32
      %scan3A_138 = arith.addi %scan3A_102, %scan3A_137 : i32
      %mul3A_139 = arith.constant 16 : i32
      %mul3A_140 = arith.muli %scan3A_138, %mul3A_139 : i32
      %get3A_141 = arith.index_cast %mul3A_140 : i32 to index
      %get3A_142 = tpu.vector_load %arg12[%get3A_141] {strides = array<i32>} : memref<5000xf32, #tpu.memory_space<vmem>>, vector<16xf32>,
      %mul3A_143 = arith.constant 16 : i32
      %mul3A_144 = arith.muli %scan3A_138, %mul3A_143 : i32
      %get3A_145 = arith.index_cast %mul3A_144 : i32 to index
      %get3A_146 = tpu.vector_load %arg13[%get3A_145] {strides = array<i32>} : memref<5000xf32, #tpu.memory_space<vmem>>, vector<16xf32>,
      %add3A_147 = arith.addf %add3A_131, %get3A_142 : vector<16xf32>
      %add3A_148 = arith.addf %add3A_132, %get3A_146 : vector<16xf32>
      %mul3A_149 = arith.mulf %get3A_142, %get3A_142 : vector<16xf32>
      %add3A_150 = arith.addf %add3A_134, %mul3A_149 : vector<16xf32>
      %mul3A_151 = arith.mulf %get3A_146, %get3A_146 : vector<16xf32>
      %add3A_152 = arith.addf %add3A_136, %mul3A_151 : vector<16xf32>
      %scan3A_153 = arith.constant 3 : i32
      %scan3A_154 = arith.addi %scan3A_102, %scan3A_153 : i32
      %mul3A_155 = arith.constant 16 : i32
      %mul3A_156 = arith.muli %scan3A_154, %mul3A_155 : i32
      %get3A_157 = arith.index_cast %mul3A_156 : i32 to index
      %get3A_158 = tpu.vector_load %arg12[%get3A_157] {strides = array<i32>} : memref<5000xf32, #tpu.memory_space<vmem>>, vector<16xf32>,
      %mul3A_159 = arith.constant 16 : i32
      %mul3A_160 = arith.muli %scan3A_154, %mul3A_159 : i32
      %get3A_161 = arith.index_cast %mul3A_160 : i32 to index
      %get3A_162 = tpu.vector_load %arg13[%get3A_161] {strides = array<i32>} : memref<5000xf32, #tpu.memory_space<vmem>>, vector<16xf32>,
      %add3A_163 = arith.addf %add3A_147, %get3A_158 : vector<16xf32>
      %add3A_164 = arith.addf %add3A_148, %get3A_162 : vector<16xf32>
      %mul3A_165 = arith.mulf %get3A_158, %get3A_158 : vector<16xf32>
      %add3A_166 = arith.addf %add3A_150, %mul3A_165 : vector<16xf32>
      %mul3A_167 = arith.mulf %get3A_162, %get3A_162 : vector<16xf32>
      %add3A_168 = arith.addf %add3A_152, %mul3A_167 : vector<16xf32>
      scf.yield %add3A_163, %add3A_164, %add3A_166, %add3A_168 : vector<16xf32>, vector<16xf32>, vector<16xf32>, vector<16xf32>
    }
    %scan3A_66 = arith.constant 312 : i32
    %ge3A_67 = arith.constant 8 : i32
    %ge3A_68 = vector.broadcast %ge3A_67 : i32 to vector<16xi32>
    %ge3A_69 = arith.cmpi sge, %iota3A, %ge3A_68 : vector<16xi32>
    %get3A_70 = arith.constant 4984 : index
    %get3A_71 = tpu.vector_load %arg12[%get3A_70] {strides = array<i32>} : memref<5000xf32, #tpu.memory_space<vmem>>, vector<16xf32>,
    %jit3A_72 = arith.constant 0.000000e+00 : f32
    %broadcast_in_dim3A_73 = vector.broadcast %jit3A_72 : f32 to vector<16xf32>
    %select_n3A_74 = arith.select %ge3A_69, %get3A_71, %broadcast_in_dim3A_73 : vector<16xi1>, vector<16xf32>
    %get3A_75 = arith.constant 4984 : index
    %get3A_76 = tpu.vector_load %arg13[%get3A_75] {strides = array<i32>} : memref<5000xf32, #tpu.memory_space<vmem>>, vector<16xf32>,
    %jit3A_77 = arith.constant 0.000000e+00 : f32
    %broadcast_in_dim3A_78 = vector.broadcast %jit3A_77 : f32 to vector<16xf32>
    %select_n3A_79 = arith.select %ge3A_69, %get3A_76, %broadcast_in_dim3A_78 : vector<16xi1>, vector<16xf32>
    %add3A_80 = arith.addf %scan3A_65#0, %select_n3A_74 : vector<16xf32>
    %swap3A = arith.constant 10000 : index
    %swap3A_81 = tpu.vector_load %arg14[%swap3A] {strides = array<i32>} : memref<10240xf32, #tpu.memory_space<vmem>>, vector<16xf32>,
    tpu.vector_store %arg14[%swap3A], %add3A_80 {strides = array<i32>} : memref<10240xf32, #tpu.memory_space<vmem>>, vector<16xf32>,
    %add3A_82 = arith.addf %scan3A_65#1, %select_n3A_79 : vector<16xf32>
    %swap3A_83 = arith.constant 10016 : index
    %swap3A_84 = tpu.vector_load %arg14[%swap3A_83] {strides = array<i32>} : memref<10240xf32, #tpu.memory_space<vmem>>, vector<16xf32>,
    tpu.vector_store %arg14[%swap3A_83], %add3A_82 {strides = array<i32>} : memref<10240xf32, #tpu.memory_space<vmem>>, vector<16xf32>,
    %mul3A_85 = arith.mulf %select_n3A_74, %select_n3A_74 : vector<16xf32>
    %add3A_86 = arith.addf %scan3A_65#2, %mul3A_85 : vector<16xf32>
    %swap3A_87 = arith.constant 10032 : index
    %swap3A_88 = tpu.vector_load %arg14[%swap3A_87] {strides = array<i32>} : memref<10240xf32, #tpu.memory_space<vmem>>, vector<16xf32>,
    tpu.vector_store %arg14[%swap3A_87], %add3A_86 {strides = array<i32>} : memref<10240xf32, #tpu.memory_space<vmem>>, vector<16xf32>,
    %mul3A_89 = arith.mulf %select_n3A_79, %select_n3A_79 : vector<16xf32>
    %add3A_90 = arith.addf %scan3A_65#3, %mul3A_89 : vector<16xf32>
    %swap3A_91 = arith.constant 10048 : index
    %swap3A_92 = tpu.vector_load %arg14[%swap3A_91] {strides = array<i32>} : memref<10240xf32, #tpu.memory_space<vmem>>, vector<16xf32>,
    tpu.vector_store %arg14[%swap3A_91], %add3A_90 {strides = array<i32>} : memref<10240xf32, #tpu.memory_space<vmem>>, vector<16xf32>,
    "tpu.region"() ({
      %run_scoped3A = tpu.sem_alloc : memref<!tpu.dma_semaphore, #tpu.memory_space<semaphore_mem>>
      %dma_start3A_102 = arith.constant 0 : i32
      %dma_start3A_103 = tpu.memref_slice %arg17[%arg1, %dma_start3A_102] : memref<16x10240xf32, #tpu.memory_space<vmem_shared>> -> memref<1x10240xf32, #tpu.memory_space<vmem_shared>>
      %dma_start3A_104 = tpu.memref_squeeze %dma_start3A_103 : memref<1x10240xf32, #tpu.memory_space<vmem_shared>> -> memref<10240xf32, #tpu.memory_space<vmem_shared>>
      %dma_start3A_105 = arith.constant 0 : i32
      %dma_start3A_106 = tpu.memref_slice %arg17[%arg1, %dma_start3A_105] : memref<16x10240xf32, #tpu.memory_space<vmem_shared>> -> memref<1x10240xf32, #tpu.memory_space<vmem_shared>>
      %dma_start3A_107 = tpu.memref_squeeze %dma_start3A_106 : memref<1x10240xf32, #tpu.memory_space<vmem_shared>> -> memref<10240xf32, #tpu.memory_space<vmem_shared>>
      tpu.enqueue_dma source(%arg14 : memref<10240xf32, #tpu.memory_space<vmem>>) target(%dma_start3A_107 : memref<10240xf32, #tpu.memory_space<vmem_shared>>) target_semaphore(%run_scoped3A : memref<!tpu.dma_semaphore, #tpu.memory_space<semaphore_mem>>)
      %dma_wait3A_108 = arith.constant 0 : i32
      %dma_wait3A_109 = tpu.memref_slice %arg17[%arg1, %dma_wait3A_108] : memref<16x10240xf32, #tpu.memory_space<vmem_shared>> -> memref<1x10240xf32, #tpu.memory_space<vmem_shared>>
      %dma_wait3A_110 = tpu.memref_squeeze %dma_wait3A_109 : memref<1x10240xf32, #tpu.memory_space<vmem_shared>> -> memref<10240xf32, #tpu.memory_space<vmem_shared>>
      %dma_wait3A_111 = arith.constant 0 : i32
      %dma_wait3A_112 = tpu.memref_slice %arg17[%arg1, %dma_wait3A_111] : memref<16x10240xf32, #tpu.memory_space<vmem_shared>> -> memref<1x10240xf32, #tpu.memory_space<vmem_shared>>
      %dma_wait3A_113 = tpu.memref_squeeze %dma_wait3A_112 : memref<1x10240xf32, #tpu.memory_space<vmem_shared>> -> memref<10240xf32, #tpu.memory_space<vmem_shared>>
      tpu.wait_dma2 semaphore(%run_scoped3A : memref<!tpu.dma_semaphore, #tpu.memory_space<semaphore_mem>>) src(%arg14 : memref<10240xf32, #tpu.memory_space<vmem>>) dst(%dma_wait3A_113 : memref<10240xf32, #tpu.memory_space<vmem_shared>>)
      tpu.yield
    }) : () -> ()
    %barrier3A = arith.constant 0 : index
    tpu.barrier barrier_id(%barrier3A)
    %mul3A_93 = arith.constant 640 : i32
    %mul3A_94 = arith.muli %mul3A_93, %arg1 : i32
    "tpu.region"() ({
      %run_scoped3A = tpu.sem_alloc : memref<!tpu.dma_semaphore, #tpu.memory_space<semaphore_mem>>
      %dma_start3A_102 = arith.constant 0 : i32
      %dma_start3A_103 = tpu.memref_slice %arg17[%dma_start3A_102, %mul3A_94] : memref<16x10240xf32, #tpu.memory_space<vmem_shared>> -> memref<16x640xf32, #tpu.memory_space<vmem_shared>>
      %dma_start3A_104 = arith.constant 0 : i32
      %dma_start3A_105 = tpu.memref_slice %arg17[%dma_start3A_104, %mul3A_94] : memref<16x10240xf32, #tpu.memory_space<vmem_shared>> -> memref<16x640xf32, #tpu.memory_space<vmem_shared>>
      tpu.enqueue_dma source(%dma_start3A_105 : memref<16x640xf32, #tpu.memory_space<vmem_shared>>) target(%arg15 : memref<16x640xf32, #tpu.memory_space<vmem>>) target_semaphore(%run_scoped3A : memref<!tpu.dma_semaphore, #tpu.memory_space<semaphore_mem>>)
      %dma_wait3A_106 = arith.constant 0 : i32
      %dma_wait3A_107 = tpu.memref_slice %arg17[%dma_wait3A_106, %mul3A_94] : memref<16x10240xf32, #tpu.memory_space<vmem_shared>> -> memref<16x640xf32, #tpu.memory_space<vmem_shared>>
      %dma_wait3A_108 = arith.constant 0 : i32
      %dma_wait3A_109 = tpu.memref_slice %arg17[%dma_wait3A_108, %mul3A_94] : memref<16x10240xf32, #tpu.memory_space<vmem_shared>> -> memref<16x640xf32, #tpu.memory_space<vmem_shared>>
      tpu.wait_dma2 semaphore(%run_scoped3A : memref<!tpu.dma_semaphore, #tpu.memory_space<semaphore_mem>>) src(%dma_wait3A_109 : memref<16x640xf32, #tpu.memory_space<vmem_shared>>) dst(%arg15 : memref<16x640xf32, #tpu.memory_space<vmem>>)
      tpu.yield
    }) : () -> ()
    %scan3A_95 = arith.constant 0 : i32
    %scan3A_96 = arith.constant 0 : i32
    %scan3A_97 = arith.constant 40 : i32
    %scan3A_98 = arith.addi %scan3A_96, %scan3A_97 : i32
    %scan3A_99 = arith.constant 2 : i32
    %scan3A_100 = scf.for %scan3A_102 = %scan3A_96 to %scan3A_98 step %scan3A_99 iter_args(%scan3A_103 = %scan3A_95) -> (i32)  : i32 {
      %mul3A_104 = arith.constant 16 : i32
      %mul3A_105 = arith.muli %scan3A_102, %mul3A_104 : i32
      %get3A_106 = arith.constant 0 : i32
      %get3A_107 = arith.index_cast %get3A_106 : i32 to index
      %get3A_108 = arith.index_cast %mul3A_105 : i32 to index
      %get3A_109 = tpu.vector_load %arg15[%get3A_107, %get3A_108] {strides = array<i32>} : memref<16x640xf32, #tpu.memory_space<vmem>>, vector<16xf32>,
      %get3A_110 = arith.constant 1 : i32
      %get3A_111 = arith.index_cast %get3A_110 : i32 to index
      %get3A_112 = arith.index_cast %mul3A_105 : i32 to index
      %get3A_113 = tpu.vector_load %arg15[%get3A_111, %get3A_112] {strides = array<i32>} : memref<16x640xf32, #tpu.memory_space<vmem>>, vector<16xf32>,
      %add3A_114 = arith.addf %get3A_109, %get3A_113 : vector<16xf32>
      %get3A_115 = arith.constant 2 : i32
      %get3A_116 = arith.index_cast %get3A_115 : i32 to index
      %get3A_117 = arith.index_cast %mul3A_105 : i32 to index
      %get3A_118 = tpu.vector_load %arg15[%get3A_116, %get3A_117] {strides = array<i32>} : memref<16x640xf32, #tpu.memory_space<vmem>>, vector<16xf32>,
      %add3A_119 = arith.addf %add3A_114, %get3A_118 : vector<16xf32>
      %get3A_120 = arith.constant 3 : i32
      %get3A_121 = arith.index_cast %get3A_120 : i32 to index
      %get3A_122 = arith.index_cast %mul3A_105 : i32 to index
      %get3A_123 = tpu.vector_load %arg15[%get3A_121, %get3A_122] {strides = array<i32>} : memref<16x640xf32, #tpu.memory_space<vmem>>, vector<16xf32>,
      %add3A_124 = arith.addf %add3A_119, %get3A_123 : vector<16xf32>
      %get3A_125 = arith.constant 4 : i32
      %get3A_126 = arith.index_cast %get3A_125 : i32 to index
      %get3A_127 = arith.index_cast %mul3A_105 : i32 to index
      %get3A_128 = tpu.vector_load %arg15[%get3A_126, %get3A_127] {strides = array<i32>} : memref<16x640xf32, #tpu.memory_space<vmem>>, vector<16xf32>,
      %add3A_129 = arith.addf %add3A_124, %get3A_128 : vector<16xf32>
      %get3A_130 = arith.constant 5 : i32
      %get3A_131 = arith.index_cast %get3A_130 : i32 to index
      %get3A_132 = arith.index_cast %mul3A_105 : i32 to index
      %get3A_133 = tpu.vector_load %arg15[%get3A_131, %get3A_132] {strides = array<i32>} : memref<16x640xf32, #tpu.memory_space<vmem>>, vector<16xf32>,
      %add3A_134 = arith.addf %add3A_129, %get3A_133 : vector<16xf32>
      %get3A_135 = arith.constant 6 : i32
      %get3A_136 = arith.index_cast %get3A_135 : i32 to index
      %get3A_137 = arith.index_cast %mul3A_105 : i32 to index
      %get3A_138 = tpu.vector_load %arg15[%get3A_136, %get3A_137] {strides = array<i32>} : memref<16x640xf32, #tpu.memory_space<vmem>>, vector<16xf32>,
      %add3A_139 = arith.addf %add3A_134, %get3A_138 : vector<16xf32>
      %get3A_140 = arith.constant 7 : i32
      %get3A_141 = arith.index_cast %get3A_140 : i32 to index
      %get3A_142 = arith.index_cast %mul3A_105 : i32 to index
      %get3A_143 = tpu.vector_load %arg15[%get3A_141, %get3A_142] {strides = array<i32>} : memref<16x640xf32, #tpu.memory_space<vmem>>, vector<16xf32>,
      %add3A_144 = arith.addf %add3A_139, %get3A_143 : vector<16xf32>
      %get3A_145 = arith.constant 8 : i32
      %get3A_146 = arith.index_cast %get3A_145 : i32 to index
      %get3A_147 = arith.index_cast %mul3A_105 : i32 to index
      %get3A_148 = tpu.vector_load %arg15[%get3A_146, %get3A_147] {strides = array<i32>} : memref<16x640xf32, #tpu.memory_space<vmem>>, vector<16xf32>,
      %add3A_149 = arith.addf %add3A_144, %get3A_148 : vector<16xf32>
      %get3A_150 = arith.constant 9 : i32
      %get3A_151 = arith.index_cast %get3A_150 : i32 to index
      %get3A_152 = arith.index_cast %mul3A_105 : i32 to index
      %get3A_153 = tpu.vector_load %arg15[%get3A_151, %get3A_152] {strides = array<i32>} : memref<16x640xf32, #tpu.memory_space<vmem>>, vector<16xf32>,
      %add3A_154 = arith.addf %add3A_149, %get3A_153 : vector<16xf32>
      %get3A_155 = arith.constant 10 : i32
      %get3A_156 = arith.index_cast %get3A_155 : i32 to index
      %get3A_157 = arith.index_cast %mul3A_105 : i32 to index
      %get3A_158 = tpu.vector_load %arg15[%get3A_156, %get3A_157] {strides = array<i32>} : memref<16x640xf32, #tpu.memory_space<vmem>>, vector<16xf32>,
      %add3A_159 = arith.addf %add3A_154, %get3A_158 : vector<16xf32>
      %get3A_160 = arith.constant 11 : i32
      %get3A_161 = arith.index_cast %get3A_160 : i32 to index
      %get3A_162 = arith.index_cast %mul3A_105 : i32 to index
      %get3A_163 = tpu.vector_load %arg15[%get3A_161, %get3A_162] {strides = array<i32>} : memref<16x640xf32, #tpu.memory_space<vmem>>, vector<16xf32>,
      %add3A_164 = arith.addf %add3A_159, %get3A_163 : vector<16xf32>
      %get3A_165 = arith.constant 12 : i32
      %get3A_166 = arith.index_cast %get3A_165 : i32 to index
      %get3A_167 = arith.index_cast %mul3A_105 : i32 to index
      %get3A_168 = tpu.vector_load %arg15[%get3A_166, %get3A_167] {strides = array<i32>} : memref<16x640xf32, #tpu.memory_space<vmem>>, vector<16xf32>,
      %add3A_169 = arith.addf %add3A_164, %get3A_168 : vector<16xf32>
      %get3A_170 = arith.constant 13 : i32
      %get3A_171 = arith.index_cast %get3A_170 : i32 to index
      %get3A_172 = arith.index_cast %mul3A_105 : i32 to index
      %get3A_173 = tpu.vector_load %arg15[%get3A_171, %get3A_172] {strides = array<i32>} : memref<16x640xf32, #tpu.memory_space<vmem>>, vector<16xf32>,
      %add3A_174 = arith.addf %add3A_169, %get3A_173 : vector<16xf32>
      %get3A_175 = arith.constant 14 : i32
      %get3A_176 = arith.index_cast %get3A_175 : i32 to index
      %get3A_177 = arith.index_cast %mul3A_105 : i32 to index
      %get3A_178 = tpu.vector_load %arg15[%get3A_176, %get3A_177] {strides = array<i32>} : memref<16x640xf32, #tpu.memory_space<vmem>>, vector<16xf32>,
      %add3A_179 = arith.addf %add3A_174, %get3A_178 : vector<16xf32>
      %get3A_180 = arith.constant 15 : i32
      %get3A_181 = arith.index_cast %get3A_180 : i32 to index
      %get3A_182 = arith.index_cast %mul3A_105 : i32 to index
      %get3A_183 = tpu.vector_load %arg15[%get3A_181, %get3A_182] {strides = array<i32>} : memref<16x640xf32, #tpu.memory_space<vmem>>, vector<16xf32>,
      %add3A_184 = arith.addf %add3A_179, %get3A_183 : vector<16xf32>
      %swap3A_185 = arith.index_cast %mul3A_105 : i32 to index
      %swap3A_186 = tpu.vector_load %arg16[%swap3A_185] {strides = array<i32>} : memref<640xf32, #tpu.memory_space<vmem>>, vector<16xf32>,
      tpu.vector_store %arg16[%swap3A_185], %add3A_184 {strides = array<i32>} : memref<640xf32, #tpu.memory_space<vmem>>, vector<16xf32>,
      %scan3A_187 = arith.constant 0 : i32
      %scan3A_188 = arith.constant 1 : i32
      %scan3A_189 = arith.addi %scan3A_102, %scan3A_188 : i32
      %mul3A_190 = arith.constant 16 : i32
      %mul3A_191 = arith.muli %scan3A_189, %mul3A_190 : i32
      %get3A_192 = arith.constant 0 : i32
      %get3A_193 = arith.index_cast %get3A_192 : i32 to index
      %get3A_194 = arith.index_cast %mul3A_191 : i32 to index
      %get3A_195 = tpu.vector_load %arg15[%get3A_193, %get3A_194] {strides = array<i32>} : memref<16x640xf32, #tpu.memory_space<vmem>>, vector<16xf32>,
      %get3A_196 = arith.constant 1 : i32
      %get3A_197 = arith.index_cast %get3A_196 : i32 to index
      %get3A_198 = arith.index_cast %mul3A_191 : i32 to index
      %get3A_199 = tpu.vector_load %arg15[%get3A_197, %get3A_198] {strides = array<i32>} : memref<16x640xf32, #tpu.memory_space<vmem>>, vector<16xf32>,
      %add3A_200 = arith.addf %get3A_195, %get3A_199 : vector<16xf32>
      %get3A_201 = arith.constant 2 : i32
      %get3A_202 = arith.index_cast %get3A_201 : i32 to index
      %get3A_203 = arith.index_cast %mul3A_191 : i32 to index
      %get3A_204 = tpu.vector_load %arg15[%get3A_202, %get3A_203] {strides = array<i32>} : memref<16x640xf32, #tpu.memory_space<vmem>>, vector<16xf32>,
      %add3A_205 = arith.addf %add3A_200, %get3A_204 : vector<16xf32>
      %get3A_206 = arith.constant 3 : i32
      %get3A_207 = arith.index_cast %get3A_206 : i32 to index
      %get3A_208 = arith.index_cast %mul3A_191 : i32 to index
      %get3A_209 = tpu.vector_load %arg15[%get3A_207, %get3A_208] {strides = array<i32>} : memref<16x640xf32, #tpu.memory_space<vmem>>, vector<16xf32>,
      %add3A_210 = arith.addf %add3A_205, %get3A_209 : vector<16xf32>
      %get3A_211 = arith.constant 4 : i32
      %get3A_212 = arith.index_cast %get3A_211 : i32 to index
      %get3A_213 = arith.index_cast %mul3A_191 : i32 to index
      %get3A_214 = tpu.vector_load %arg15[%get3A_212, %get3A_213] {strides = array<i32>} : memref<16x640xf32, #tpu.memory_space<vmem>>, vector<16xf32>,
      %add3A_215 = arith.addf %add3A_210, %get3A_214 : vector<16xf32>
      %get3A_216 = arith.constant 5 : i32
      %get3A_217 = arith.index_cast %get3A_216 : i32 to index
      %get3A_218 = arith.index_cast %mul3A_191 : i32 to index
      %get3A_219 = tpu.vector_load %arg15[%get3A_217, %get3A_218] {strides = array<i32>} : memref<16x640xf32, #tpu.memory_space<vmem>>, vector<16xf32>,
      %add3A_220 = arith.addf %add3A_215, %get3A_219 : vector<16xf32>
      %get3A_221 = arith.constant 6 : i32
      %get3A_222 = arith.index_cast %get3A_221 : i32 to index
      %get3A_223 = arith.index_cast %mul3A_191 : i32 to index
      %get3A_224 = tpu.vector_load %arg15[%get3A_222, %get3A_223] {strides = array<i32>} : memref<16x640xf32, #tpu.memory_space<vmem>>, vector<16xf32>,
      %add3A_225 = arith.addf %add3A_220, %get3A_224 : vector<16xf32>
      %get3A_226 = arith.constant 7 : i32
      %get3A_227 = arith.index_cast %get3A_226 : i32 to index
      %get3A_228 = arith.index_cast %mul3A_191 : i32 to index
      %get3A_229 = tpu.vector_load %arg15[%get3A_227, %get3A_228] {strides = array<i32>} : memref<16x640xf32, #tpu.memory_space<vmem>>, vector<16xf32>,
      %add3A_230 = arith.addf %add3A_225, %get3A_229 : vector<16xf32>
      %get3A_231 = arith.constant 8 : i32
      %get3A_232 = arith.index_cast %get3A_231 : i32 to index
      %get3A_233 = arith.index_cast %mul3A_191 : i32 to index
      %get3A_234 = tpu.vector_load %arg15[%get3A_232, %get3A_233] {strides = array<i32>} : memref<16x640xf32, #tpu.memory_space<vmem>>, vector<16xf32>,
      %add3A_235 = arith.addf %add3A_230, %get3A_234 : vector<16xf32>
      %get3A_236 = arith.constant 9 : i32
      %get3A_237 = arith.index_cast %get3A_236 : i32 to index
      %get3A_238 = arith.index_cast %mul3A_191 : i32 to index
      %get3A_239 = tpu.vector_load %arg15[%get3A_237, %get3A_238] {strides = array<i32>} : memref<16x640xf32, #tpu.memory_space<vmem>>, vector<16xf32>,
      %add3A_240 = arith.addf %add3A_235, %get3A_239 : vector<16xf32>
      %get3A_241 = arith.constant 10 : i32
      %get3A_242 = arith.index_cast %get3A_241 : i32 to index
      %get3A_243 = arith.index_cast %mul3A_191 : i32 to index
      %get3A_244 = tpu.vector_load %arg15[%get3A_242, %get3A_243] {strides = array<i32>} : memref<16x640xf32, #tpu.memory_space<vmem>>, vector<16xf32>,
      %add3A_245 = arith.addf %add3A_240, %get3A_244 : vector<16xf32>
      %get3A_246 = arith.constant 11 : i32
      %get3A_247 = arith.index_cast %get3A_246 : i32 to index
      %get3A_248 = arith.index_cast %mul3A_191 : i32 to index
      %get3A_249 = tpu.vector_load %arg15[%get3A_247, %get3A_248] {strides = array<i32>} : memref<16x640xf32, #tpu.memory_space<vmem>>, vector<16xf32>,
      %add3A_250 = arith.addf %add3A_245, %get3A_249 : vector<16xf32>
      %get3A_251 = arith.constant 12 : i32
      %get3A_252 = arith.index_cast %get3A_251 : i32 to index
      %get3A_253 = arith.index_cast %mul3A_191 : i32 to index
      %get3A_254 = tpu.vector_load %arg15[%get3A_252, %get3A_253] {strides = array<i32>} : memref<16x640xf32, #tpu.memory_space<vmem>>, vector<16xf32>,
      %add3A_255 = arith.addf %add3A_250, %get3A_254 : vector<16xf32>
      %get3A_256 = arith.constant 13 : i32
      %get3A_257 = arith.index_cast %get3A_256 : i32 to index
      %get3A_258 = arith.index_cast %mul3A_191 : i32 to index
      %get3A_259 = tpu.vector_load %arg15[%get3A_257, %get3A_258] {strides = array<i32>} : memref<16x640xf32, #tpu.memory_space<vmem>>, vector<16xf32>,
      %add3A_260 = arith.addf %add3A_255, %get3A_259 : vector<16xf32>
      %get3A_261 = arith.constant 14 : i32
      %get3A_262 = arith.index_cast %get3A_261 : i32 to index
      %get3A_263 = arith.index_cast %mul3A_191 : i32 to index
      %get3A_264 = tpu.vector_load %arg15[%get3A_262, %get3A_263] {strides = array<i32>} : memref<16x640xf32, #tpu.memory_space<vmem>>, vector<16xf32>,
      %add3A_265 = arith.addf %add3A_260, %get3A_264 : vector<16xf32>
      %get3A_266 = arith.constant 15 : i32
      %get3A_267 = arith.index_cast %get3A_266 : i32 to index
      %get3A_268 = arith.index_cast %mul3A_191 : i32 to index
      %get3A_269 = tpu.vector_load %arg15[%get3A_267, %get3A_268] {strides = array<i32>} : memref<16x640xf32, #tpu.memory_space<vmem>>, vector<16xf32>,
      %add3A_270 = arith.addf %add3A_265, %get3A_269 : vector<16xf32>
      %swap3A_271 = arith.index_cast %mul3A_191 : i32 to index
      %swap3A_272 = tpu.vector_load %arg16[%swap3A_271] {strides = array<i32>} : memref<640xf32, #tpu.memory_space<vmem>>, vector<16xf32>,
      tpu.vector_store %arg16[%swap3A_271], %add3A_270 {strides = array<i32>} : memref<640xf32, #tpu.memory_space<vmem>>, vector<16xf32>,
      %scan3A_273 = arith.constant 0 : i32
      scf.yield %scan3A_273 : i32
    }
    %scan3A_101 = arith.constant 40 : i32
    "tpu.region"() ({
      %run_scoped3A = tpu.sem_alloc : memref<!tpu.dma_semaphore, #tpu.memory_space<semaphore_mem>>
      %dma_start3A_102 = tpu.memref_slice %arg7[%arg0, %mul3A_94] : memref<2x10240xf32, #tpu.memory_space<hbm>> -> memref<1x640xf32, #tpu.memory_space<hbm>>
      %dma_start3A_103 = tpu.memref_squeeze %dma_start3A_102 : memref<1x640xf32, #tpu.memory_space<hbm>> -> memref<640xf32, #tpu.memory_space<hbm>>
      %dma_start3A_104 = tpu.memref_slice %arg7[%arg0, %mul3A_94] : memref<2x10240xf32, #tpu.memory_space<hbm>> -> memref<1x640xf32, #tpu.memory_space<hbm>>
      %dma_start3A_105 = tpu.memref_squeeze %dma_start3A_104 : memref<1x640xf32, #tpu.memory_space<hbm>> -> memref<640xf32, #tpu.memory_space<hbm>>
      tpu.enqueue_dma source(%arg16 : memref<640xf32, #tpu.memory_space<vmem>>) target(%dma_start3A_105 : memref<640xf32, #tpu.memory_space<hbm>>) target_semaphore(%run_scoped3A : memref<!tpu.dma_semaphore, #tpu.memory_space<semaphore_mem>>)
      %dma_wait3A_106 = tpu.memref_slice %arg7[%arg0, %mul3A_94] : memref<2x10240xf32, #tpu.memory_space<hbm>> -> memref<1x640xf32, #tpu.memory_space<hbm>>
      %dma_wait3A_107 = tpu.memref_squeeze %dma_wait3A_106 : memref<1x640xf32, #tpu.memory_space<hbm>> -> memref<640xf32, #tpu.memory_space<hbm>>
      %dma_wait3A_108 = tpu.memref_slice %arg7[%arg0, %mul3A_94] : memref<2x10240xf32, #tpu.memory_space<hbm>> -> memref<1x640xf32, #tpu.memory_space<hbm>>
      %dma_wait3A_109 = tpu.memref_squeeze %dma_wait3A_108 : memref<1x640xf32, #tpu.memory_space<hbm>> -> memref<640xf32, #tpu.memory_space<hbm>>
      tpu.wait_dma2 semaphore(%run_scoped3A : memref<!tpu.dma_semaphore, #tpu.memory_space<semaphore_mem>>) src(%arg16 : memref<640xf32, #tpu.memory_space<vmem>>) dst(%dma_wait3A_109 : memref<640xf32, #tpu.memory_space<hbm>>)
      tpu.yield
    }) : () -> ()
    return
  }
}

module attributes {stable_mosaic.version = 14 : i64} {
  func.func @_finish_kernel(%arg0: memref<2x10240xf32, #tpu.memory_space<vmem>>, %arg1: memref<1x1xf32, #tpu.memory_space<smem>>) attributes {dimension_semantics = [], scalar_prefetch = 0 : i64, scratch_operands = 0 : i64, tpu.core_type = #tpu.core_type<tc>} {
    %get3A = arith.constant 0 : index
    %get3A_0 = arith.constant 0 : index
    %get3A_1 = vector.load %arg0[%get3A, %get3A_0] : memref<2x10240xf32, #tpu.memory_space<vmem>>, vector<2x10240xf32>
    %slice3A = vector.extract_strided_slice %get3A_1 {offsets = [0, 0], sizes = [1, 10240], strides = [1, 1]} : vector<2x10240xf32> to vector<1x10240xf32>
    %squeeze3A = vector.shape_cast %slice3A : vector<1x10240xf32> to vector<10240xf32>
    %slice3A_2 = vector.extract_strided_slice %get3A_1 {offsets = [1, 0], sizes = [1, 10240], strides = [1, 1]} : vector<2x10240xf32> to vector<1x10240xf32>
    %squeeze3A_3 = vector.shape_cast %slice3A_2 : vector<1x10240xf32> to vector<10240xf32>
    %add3A = arith.addf %squeeze3A, %squeeze3A_3 : vector<10240xf32>
    %reshape3A = vector.shape_cast %add3A : vector<10240xf32> to vector<80x128xf32>
    %iota3A = tpu.iota {dimensions = array<i32: 0>} : vector<80x128xi32>
    %mul3A = arith.constant 128 : i32
    %mul3A_4 = vector.broadcast %mul3A : i32 to vector<80x128xi32>
    %mul3A_5 = arith.muli %iota3A, %mul3A_4 : vector<80x128xi32>
    %iota3A_6 = tpu.iota {dimensions = array<i32: 1>} : vector<80x128xi32>
    %add3A_7 = arith.addi %mul3A_5, %iota3A_6 : vector<80x128xi32>
    %lt3A = arith.constant 10000 : i32
    %lt3A_8 = vector.broadcast %lt3A : i32 to vector<80x128xi32>
    %lt3A_9 = arith.cmpi slt, %add3A_7, %lt3A_8 : vector<80x128xi32>
    %jit3A = arith.constant 0.000000e+00 : f32
    %broadcast_in_dim3A = vector.broadcast %jit3A : f32 to vector<80x128xf32>
    %select_n3A = arith.select %lt3A_9, %reshape3A, %broadcast_in_dim3A : vector<80x128xi1>, vector<80x128xf32>
    %mul3A_10 = arith.mulf %select_n3A, %select_n3A : vector<80x128xf32>
    %reduce_sum3A = vector.shape_cast %mul3A_10 : vector<80x128xf32> to vector<1x80x128xf32>
    %reduce_sum3A_11 = arith.constant dense<0.000000e+00> : vector<1xf32>
    %reduce_sum3A_12 = vector.multi_reduction <add>, %reduce_sum3A, %reduce_sum3A_11 [1, 2] : vector<1x80x128xf32> to vector<1xf32>
    %reduce_sum3A_13 = vector.shape_cast %reduce_sum3A_12 : vector<1xf32> to vector<1x1x1xf32>
    %reduce_sum3A_14 = vector.extract %reduce_sum3A_13[0, 0, 0] : f32 from vector<1x1x1xf32>
    %div3A = arith.constant 1.000000e+04 : f32
    %div3A_15 = arith.divf %reduce_sum3A_14, %div3A : f32
    %ge3A = arith.constant 10000 : i32
    %ge3A_16 = vector.broadcast %ge3A : i32 to vector<80x128xi32>
    %ge3A_17 = arith.cmpi sge, %add3A_7, %ge3A_16 : vector<80x128xi32>
    %lt3A_18 = arith.constant 10016 : i32
    %lt3A_19 = vector.broadcast %lt3A_18 : i32 to vector<80x128xi32>
    %lt3A_20 = arith.cmpi slt, %add3A_7, %lt3A_19 : vector<80x128xi32>
    %and3A = arith.andi %ge3A_17, %lt3A_20 : vector<80x128xi1>
    %jit3A_21 = arith.constant 0.000000e+00 : f32
    %broadcast_in_dim3A_22 = vector.broadcast %jit3A_21 : f32 to vector<80x128xf32>
    %select_n3A_23 = arith.select %and3A, %reshape3A, %broadcast_in_dim3A_22 : vector<80x128xi1>, vector<80x128xf32>
    %reduce_sum3A_24 = vector.shape_cast %select_n3A_23 : vector<80x128xf32> to vector<1x80x128xf32>
    %reduce_sum3A_25 = arith.constant dense<0.000000e+00> : vector<1xf32>
    %reduce_sum3A_26 = vector.multi_reduction <add>, %reduce_sum3A_24, %reduce_sum3A_25 [1, 2] : vector<1x80x128xf32> to vector<1xf32>
    %reduce_sum3A_27 = vector.shape_cast %reduce_sum3A_26 : vector<1xf32> to vector<1x1x1xf32>
    %reduce_sum3A_28 = vector.extract %reduce_sum3A_27[0, 0, 0] : f32 from vector<1x1x1xf32>
    %ge3A_29 = arith.constant 10016 : i32
    %ge3A_30 = vector.broadcast %ge3A_29 : i32 to vector<80x128xi32>
    %ge3A_31 = arith.cmpi sge, %add3A_7, %ge3A_30 : vector<80x128xi32>
    %lt3A_32 = arith.constant 10032 : i32
    %lt3A_33 = vector.broadcast %lt3A_32 : i32 to vector<80x128xi32>
    %lt3A_34 = arith.cmpi slt, %add3A_7, %lt3A_33 : vector<80x128xi32>
    %and3A_35 = arith.andi %ge3A_31, %lt3A_34 : vector<80x128xi1>
    %jit3A_36 = arith.constant 0.000000e+00 : f32
    %broadcast_in_dim3A_37 = vector.broadcast %jit3A_36 : f32 to vector<80x128xf32>
    %select_n3A_38 = arith.select %and3A_35, %reshape3A, %broadcast_in_dim3A_37 : vector<80x128xi1>, vector<80x128xf32>
    %reduce_sum3A_39 = vector.shape_cast %select_n3A_38 : vector<80x128xf32> to vector<1x80x128xf32>
    %reduce_sum3A_40 = arith.constant dense<0.000000e+00> : vector<1xf32>
    %reduce_sum3A_41 = vector.multi_reduction <add>, %reduce_sum3A_39, %reduce_sum3A_40 [1, 2] : vector<1x80x128xf32> to vector<1xf32>
    %reduce_sum3A_42 = vector.shape_cast %reduce_sum3A_41 : vector<1xf32> to vector<1x1x1xf32>
    %reduce_sum3A_43 = vector.extract %reduce_sum3A_42[0, 0, 0] : f32 from vector<1x1x1xf32>
    %ge3A_44 = arith.constant 10032 : i32
    %ge3A_45 = vector.broadcast %ge3A_44 : i32 to vector<80x128xi32>
    %ge3A_46 = arith.cmpi sge, %add3A_7, %ge3A_45 : vector<80x128xi32>
    %lt3A_47 = arith.constant 10048 : i32
    %lt3A_48 = vector.broadcast %lt3A_47 : i32 to vector<80x128xi32>
    %lt3A_49 = arith.cmpi slt, %add3A_7, %lt3A_48 : vector<80x128xi32>
    %and3A_50 = arith.andi %ge3A_46, %lt3A_49 : vector<80x128xi1>
    %jit3A_51 = arith.constant 0.000000e+00 : f32
    %broadcast_in_dim3A_52 = vector.broadcast %jit3A_51 : f32 to vector<80x128xf32>
    %select_n3A_53 = arith.select %and3A_50, %reshape3A, %broadcast_in_dim3A_52 : vector<80x128xi1>, vector<80x128xf32>
    %reduce_sum3A_54 = vector.shape_cast %select_n3A_53 : vector<80x128xf32> to vector<1x80x128xf32>
    %reduce_sum3A_55 = arith.constant dense<0.000000e+00> : vector<1xf32>
    %reduce_sum3A_56 = vector.multi_reduction <add>, %reduce_sum3A_54, %reduce_sum3A_55 [1, 2] : vector<1x80x128xf32> to vector<1xf32>
    %reduce_sum3A_57 = vector.shape_cast %reduce_sum3A_56 : vector<1xf32> to vector<1x1x1xf32>
    %reduce_sum3A_58 = vector.extract %reduce_sum3A_57[0, 0, 0] : f32 from vector<1x1x1xf32>
    %ge3A_59 = arith.constant 10048 : i32
    %ge3A_60 = vector.broadcast %ge3A_59 : i32 to vector<80x128xi32>
    %ge3A_61 = arith.cmpi sge, %add3A_7, %ge3A_60 : vector<80x128xi32>
    %lt3A_62 = arith.constant 10064 : i32
    %lt3A_63 = vector.broadcast %lt3A_62 : i32 to vector<80x128xi32>
    %lt3A_64 = arith.cmpi slt, %add3A_7, %lt3A_63 : vector<80x128xi32>
    %and3A_65 = arith.andi %ge3A_61, %lt3A_64 : vector<80x128xi1>
    %jit3A_66 = arith.constant 0.000000e+00 : f32
    %broadcast_in_dim3A_67 = vector.broadcast %jit3A_66 : f32 to vector<80x128xf32>
    %select_n3A_68 = arith.select %and3A_65, %reshape3A, %broadcast_in_dim3A_67 : vector<80x128xi1>, vector<80x128xf32>
    %reduce_sum3A_69 = vector.shape_cast %select_n3A_68 : vector<80x128xf32> to vector<1x80x128xf32>
    %reduce_sum3A_70 = arith.constant dense<0.000000e+00> : vector<1xf32>
    %reduce_sum3A_71 = vector.multi_reduction <add>, %reduce_sum3A_69, %reduce_sum3A_70 [1, 2] : vector<1x80x128xf32> to vector<1xf32>
    %reduce_sum3A_72 = vector.shape_cast %reduce_sum3A_71 : vector<1xf32> to vector<1x1x1xf32>
    %reduce_sum3A_73 = vector.extract %reduce_sum3A_72[0, 0, 0] : f32 from vector<1x1x1xf32>
    %mul3A_74 = arith.mulf %reduce_sum3A_28, %reduce_sum3A_28 : f32
    %div3A_75 = arith.constant 1.600000e+05 : f32
    %div3A_76 = arith.divf %mul3A_74, %div3A_75 : f32
    %sub3A = arith.subf %reduce_sum3A_58, %div3A_76 : f32
    %sub3A_77 = arith.constant 1.600000e+05 : f32
    %sub3A_78 = arith.constant 1.000000e+00 : f32
    %sub3A_79 = arith.subf %sub3A_77, %sub3A_78 : f32
    %div3A_80 = arith.divf %sub3A, %sub3A_79 : f32
    %mul3A_81 = arith.mulf %reduce_sum3A_43, %reduce_sum3A_43 : f32
    %div3A_82 = arith.constant 1.600000e+05 : f32
    %div3A_83 = arith.divf %mul3A_81, %div3A_82 : f32
    %sub3A_84 = arith.subf %reduce_sum3A_73, %div3A_83 : f32
    %sub3A_85 = arith.constant 1.600000e+05 : f32
    %sub3A_86 = arith.constant 1.000000e+00 : f32
    %sub3A_87 = arith.subf %sub3A_85, %sub3A_86 : f32
    %div3A_88 = arith.divf %sub3A_84, %sub3A_87 : f32
    %add3A_89 = arith.addf %div3A_80, %div3A_88 : f32
    %mul3A_90 = arith.constant 5.000000e-01 : f32
    %mul3A_91 = arith.mulf %mul3A_90, %add3A_89 : f32
    %add3A_92 = arith.addf %div3A_15, %mul3A_91 : f32
    %swap3A = arith.constant 0 : index
    %swap3A_93 = arith.constant 0 : index
    %swap3A_94 = memref.load %arg1[%swap3A, %swap3A_93] : memref<1x1xf32, #tpu.memory_space<smem>>
    memref.store %add3A_92, %arg1[%swap3A, %swap3A_93] : memref<1x1xf32, #tpu.memory_space<smem>>
    return
  }
}

</mosaic_0001>

<sc_bundles>
// kernel: kernel.5.cloned.1.call-start
scs
__scs_entry_jumppad:
0x0: {  	(pc) =	sbr.rel $0x88, $3  }
0x1: {  	(tag) =	ssettag $0x0;
	lr =	simm.s32 $0x1  }
0x2: {  	[smem:$0x3F9D] =	sst lr;
	_ =	strace $0xD0000000  }
0x3: {  	_ = 	snop  }
0x4: {  	_ = 	snop  }
0x5: {  	_ = 	snop  }
0x6: {  	_ = 	snop  }
0x7: {  	_ = 	snop  }
__scs_overlays_trampoline_lowered:
0x8: {  	[smem:$0x3FAC] =	sst s0  }
0x9: {  	[smem:$0x3FAD] =	sst s1  }
0xa: {  	[smem:$0x3FAE] =	sst s2  }
0xb: {  	[smem:$0x3FAF] =	sst s3  }
0xc: {  	[smem:$0x3FB0] =	sst s4  }
0xd: {  	[smem:$0x3FB1] =	sst s5  }
0xe: {  	[smem:$0x3FB2] =	sst s6  }
0xf: {  	[smem:$0x3FB3] =	sst s7  }
0x10: {  	[smem:$0x3FB4] =	sst s8  }
0x11: {  	[smem:$0x3FB5] =	sst s9;
	s0 =	simm.s32 @!p0 $0x0  }
0x12: {  	s1 =	sld [smem:$0x3F9B];
	s0 =	simm.s32 @p0 $0x1  }
0x13: {  	[smem:$0x3FB6] =	sst s0;
	s0 =	simm.s32 @!p1 $0x0  }
0x14: {  	s2 =	sld [smem:$0x3F9A];
	s0 =	simm.s32 @p1 $0x1  }
0x15: {  	[smem:$0x3FB7] =	sst s0;
	s0 =	simm.s32 @!p2 $0x0  }
0x16: {  	s3 =	sld [smem:$0x3FDB];
	s0 =	simm.s32 @p2 $0x1  }
0x17: {  	s4 =	simm.s32 $0x1BF5;
	[smem:$0x3FB9] =	sst s0  }
0x18: {  	s0 =	sld [smem:$0x3F9C];
	_ =	swait.ge [sflag:s4], $0x0  }
0x19: {  	s7 =	sld [smem:$0x3F9D]  }
0x1a: {  	s8 =	sadd.s32 $0xFFFFE003, lr  }
0x1b: {  	s9 =	sadd.s32 $0xFFFFFEF7, lr;
	s5 =	simm.s32 $0xFFFFFFFF;
	p2 =	slt.u32 s8, $0xFFFFF086  }
0x1c: {  	p1 =	slt.u32 s9, $0xF7A;
	s5 =	simm.s32 @!p2 $0x0  }
0x1d: {  	s5 =	simm.s32 @p1 $0x1;
	p0 =	seq.s32 s7, s2  }
0x1e: {  	s7 =	smul.u32 @!p0 $0xF7A, s2;
	p2 =	seq.s32 @!p0 s5, $0x0  }
0x1f: {  	s9 =	smul.u32 $0xF7A, s1;
	s8 =	simm.s32 @!p0 $0x1BF5;
	p2 =	por !p2, p0  }
0x20: {  	[sflag:s8] =	ssyncset.s32 @!p0 $0xFFFFF086;
	s6 =	sadd.s32 @!p0 s3, s7;
	s7 =	simm.s32 @!p0 $0x108  }
0x21: {  	s3 =	sadd.s32 s3, s9;
	s6 =	sadd.s32 @!p0 $0x88, s6;
	s7 =	simm.s32 @p2 $0x1082  }
0x22: {  	[simem:s7], [sflag:s8] =	dma.local @!p0 [hbm:s6], $0xF7A  }
0x23: {  	s9 =	sor.u32 $0xD0000000, s2;
	s6 =	simm.s32 $0x108;
	_ =	swait.ge @!p0 [sflag:s8], $0x0  }
0x24: {  	s3 =	sadd.s32 $0x88, s3;
	s6 =	simm.s32 @!p1 $0x1082;
	[sflag:s4] =	ssyncset.s32 $0xFFFFF086  }
0x25: {  	[simem:s6], [sflag:s4] =	dma.local [hbm:s3], $0xF7A  }
0x26: {  	[smem:$0x3F9D] =	sst s1;
	(tag) =	ssettag s2;
	_ =	strace s9  }
0x27: {  	s1 =	sld [smem:$0x3FAD]  }
0x28: {  	s2 =	sld [smem:$0x3FAE]  }
0x29: {  	s4 =	sld [smem:$0x3FB0]  }
0x2a: {  	p0 =	seq.s32 s5, $0x0;
	s5 =	sld [smem:$0x3FB1]  }
0x2b: {  	s6 =	sld [smem:$0x3FB2]  }
0x2c: {  	s7 =	sld [smem:$0x3FB3]  }
0x2d: {  	s3 =	simm.s32 $0x108;
	s8 =	sld [smem:$0x3FB4]  }
0x2e: {  	s3 =	simm.s32 @!p0 $0x1082;
	s9 =	sld [smem:$0x3FB5]  }
0x2f: {  	lr =	sadd.s32 s0, s3;
	s0 =	sld [smem:$0x3FAC]  }
0x30: {  	s3 =	sld [smem:$0x3FAF]  }
0x31: {  	[smem:$0x3FB8] =	sst s10  }
0x32: {  	s10 =	sld [smem:$0x3FB6];
	_ =	sdelay $0x3  }
0x33: {  	p0 =	seq.s32 s10, $0x1;
	s10 =	sld [smem:$0x3FB8];
	_ =	sdelay $0x3  }
0x34: {  	[smem:$0x3FB8] =	sst s10  }
0x35: {  	s10 =	sld [smem:$0x3FB7];
	_ =	sdelay $0x3  }
0x36: {  	p1 =	seq.s32 s10, $0x1;
	s10 =	sld [smem:$0x3FB8];
	_ =	sdelay $0x3  }
0x37: {  	[smem:$0x3FB8] =	sst s10  }
0x38: {  	s10 =	sld [smem:$0x3FB9]  }
0x39: {  	_ = 	snop;
	(pc) =	sbr.ind lr, $3  }
0x3a: {  	_ = 	snop  }
0x3b: {  	_ = 	snop  }
0x3c: {  	p2 =	seq.s32 s10, $0x1;
	s10 =	sld [smem:$0x3FB8]  }
0x3d: {  	_ =	shalt  }
0x3e: {  	_ =	shalt  }
0x3f: {  	_ =	shalt  }
0x40: {  	_ =	shalt  }
0x41: {  	_ =	shalt  }
0x42: {  	_ =	shalt  }
0x43: {  	_ =	shalt  }
0x44: {  	_ =	shalt  }
0x45: {  	_ =	shalt  }
0x46: {  	_ =	shalt  }
0x47: {  	_ =	shalt  }
0x48: {  	_ =	shalt  }
0x49: {  	_ =	shalt  }
0x4a: {  	_ =	shalt  }
0x4b: {  	_ =	shalt  }
0x4c: {  	_ =	shalt  }
0x4d: {  	_ =	shalt  }
0x4e: {  	_ =	shalt  }
0x4f: {  	_ =	shalt  }
0x50: {  	_ =	shalt  }
0x51: {  	_ =	shalt  }
0x52: {  	_ =	shalt  }
0x53: {  	_ =	shalt  }
0x54: {  	_ =	shalt  }
0x55: {  	_ =	shalt  }
0x56: {  	_ =	shalt  }
0x57: {  	_ =	shalt  }
0x58: {  	_ =	shalt  }
0x59: {  	_ =	shalt  }
0x5a: {  	_ =	shalt  }
0x5b: {  	_ =	shalt  }
0x5c: {  	_ =	shalt  }
0x5d: {  	_ =	shalt  }
0x5e: {  	_ =	shalt  }
0x5f: {  	_ =	shalt  }
0x60: {  	_ =	shalt  }
0x61: {  	_ =	shalt  }
0x62: {  	_ =	shalt  }
0x63: {  	_ =	shalt  }
0x64: {  	_ =	shalt  }
0x65: {  	_ =	shalt  }
0x66: {  	_ =	shalt  }
0x67: {  	_ =	shalt  }
0x68: {  	_ =	shalt  }
0x69: {  	_ =	shalt  }
0x6a: {  	_ =	shalt  }
0x6b: {  	_ =	shalt  }
0x6c: {  	_ =	shalt  }
0x6d: {  	_ =	shalt  }
0x6e: {  	_ =	shalt  }
0x6f: {  	_ =	shalt  }
0x70: {  	_ =	shalt  }
0x71: {  	_ =	shalt  }
0x72: {  	_ =	shalt  }
0x73: {  	_ =	shalt  }
0x74: {  	_ =	shalt  }
0x75: {  	_ =	shalt  }
0x76: {  	_ =	shalt  }
0x77: {  	_ =	shalt  }
0x78: {  	_ =	shalt  }
0x79: {  	_ =	shalt  }
0x7a: {  	_ =	shalt  }
0x7b: {  	_ =	shalt  }
0x7c: {  	_ =	shalt  }
0x7d: {  	_ =	shalt  }
0x7e: {  	_ =	shalt  }
0x7f: {  	_ =	shalt  }
0x80: {  	_ =	shalt  }
0x81: {  	_ =	shalt  }
0x82: {  	_ =	shalt  }
0x83: {  	_ =	shalt  }
0x84: {  	_ =	shalt  }
0x85: {  	_ =	shalt  }
0x86: {  	_ =	shalt  }
0x87: {  	_ =	shalt  }
.Lfunc_end0:
.L_simem_size_0:
called_computation_lowered:
.L_overlay_start_0:
0x88: {  	s2 =	sld [smem:$0x3FD9]  }
0x89: {  	s3 =	sld [smem:$0x3FFE];
	_ =	sdelay $0x1  }
0x8a: {  	s1 =	srdreg.scid  }
0x8b: {  	s0 =	sand.u32 $0x1, s1  }
0x8c: {  	s17 =	sshll.u32 s0, $0xA;
	s2 =	sadd.s32 s3, s2  }
0x8d: {  	s2 =	sadd.s32 s2, s17  }
0x8e: {  	[smem:$0x3FC4] =	sst s2  }
0x8f: {  	_ = 	snop  }
0x90: {  	s2 =	sld [smem:$0x3FC9];
	(tm) =	ssettm $0x1  }
0x91: {  	s18 =	sld [smem:$0x3FFB];
	_ =	sdelay $0x3  }
0x92: {  	_ =	strace s18  }
0x93: {  	s3 =	sld [smem:$0x3FFC];
	_ =	sdelay $0x3  }
0x94: {  	_ =	strace s3  }
0x95: {  	s3 =	sld [smem:$0x3FFD];
	_ =	sdelay $0x3  }
0x96: {  	_ =	strace s3  }
0x97: {  	_ =	strace $0x8FFFFFFF  }
0x98: {  	s19 =	sld [smem:$0x3FDB];
	_ =	sdelay $0x1  }
0x99: {  	s4 =	simm.s32 $_scs_section_size  }
0x9a: {  	s5 =	simm.s32 $_size__tile_overlayer_lowered;
	s6 =	simm.s32 $_tile_overlayer_lowered  }
0x9b: {  	s22 =	simm.s32 $0x1BFF;
	s21 =	sshll.u32 s6, $0x1;
	s3 =	sadd.s32 s4, s19  }
0x9c: {  	s7 =	simm.s32 $0x0;
	s20 =	sshll.u32 s5, $0x1;
	s5 =	sadd.s32 s21, s3  }
0x9d: {  	[timem:s7], [sflag:s22] =	dma.local [hbm:s5], s20  }
0x9e: {  	_ =	swait.ge [sflag:s22], s20  }
0x9f: {  	s4 =	ssub.s32 $0x0, s20;
	[sflag:s22] =	ssyncset.done $0x0  }
0xa0: {  	[sflag:s22] =	ssyncadd.s32 s4;
	_ =	sdelay $0x1  }
0xa1: {  	s23 =	simm.s32 $0x1B8B  }
0xa2: {  	_ =	swait.ge [sflag:s23], $0x1  }
0xa3: {  	[sflag:s23] =	ssyncset.done $0x0  }
0xa4: {  	s25 =	simm.s32 $0x1B8E;
	s24 =	sld [smem:$0x3FFE];
	[sflag:s23] =	ssyncadd.s32 $0xFFFFFFFF  }
0xa5: {  	s26 =	simm.s32 $execute0_lowered;
	[smem:$0x3FD2] =	sst s25  }
0xa6: {  	s5 =	sshll.u32 s26, $0x1;
	_ =	strace $0x80000046;
	[dreg:$0x1] =	wrdreg $0xFFFFFFFF  }
0xa7: {  	s28 =	simm.s32 $_size_execute0_lowered;
	s3 =	sadd.s32 s3, s5;
	[dreg:$0x0] =	wrdreg $0x0  }
0xa8: {  	s5 =	sshll.u32 s28, $0x1;
	[dreg:$0x2] =	wrdreg s3  }
0xa9: {  	[dreg:$0x3] =	wrdreg s5  }
0xaa: {  	[dreg:$0x4] =	wrdreg $0xC0  }
0xab: {  	_ =	task [dreg:s7], $0x5FFFF  }
0xac: {  	[dreg:$0x1] =	wrdreg $0xFFFFFFFF  }
0xad: {  	[dreg:$0x0] =	wrdreg $0x60  }
0xae: {  	[dreg:$0x2] =	wrdreg s2  }
0xaf: {  	[dreg:$0x3] =	wrdreg s24  }
0xb0: {  	[dreg:$0x4] =	wrdreg $0x9  }
0xb1: {  	_ =	task.clear_ibuf [dreg:s7], $0x5FFFF;
	_ =	strace $0x90000046  }
0xb2: {  	s29 =	simm.s32 $0x9;
	_ =	strace $0x80000048  }
0xb3: {  	_ =	swait.ge [sflag:s29], $0x1  }
0xb4: {  	[sflag:s29] =	ssyncadd.s32 $0xFFFFFFFF  }
0xb5: {  	_ =	strace $0x90000048  }
0xb6: {  	_ =	sfence  }
0xb7: {  	s30 =	sld [smem:$0x0];
	_ =	sdelay $0x2  }
0xb8: {  	s31 =	sshll.u32 s1, $0xD;
	s1 =	sshrl.u32 s1, $0x2  }
0xb9: {  	s3 =	sand.u32 $0x4000, s31;
	s1 =	sadd.s32 s1, s30  }
0xba: {  	s0 =	sor.u32 s3, s0;
	s1 =	sshll.u32 s1, $0x11  }
0xbb: {  	s0 =	sor.u32 s1, s0  }
0xbc: {  	s0 =	sadd.s32 $0x8F2B, s0  }
0xbd: {  	[sflag:s0] =	ssyncadd.remote.s32 $0x1  }
0xbe: {  	_ =	sfence.sel $0xFFFF  }
0xbf: {  	[dreg:$0x0] =	wrdreg $0xFFFFFFFF;
	(pc) =	sbr.abs _section_cstart, $3  }
0xc0: {  	[dreg:$0x1] =	wrdreg $0xFFFFFFFF  }
0xc1: {  	_ =	task.clear_ibuf [dreg:s7], $0x2FFFF;
	_ =	strace $0x9FFFFFFF  }
0xc2: {  	(tm) =	ssettm $0x7FFFFFFF  }
0xc3: {  	_ =	shalt  }
tec
execute0_lowered:
.L_overlay_start_1:
0x0: {  	(tag) =	ssettag $0x1  }
0x1: {  	s0 =	srdreg.scid  }
0x2: {  	s21 =	sand.u32 $0x1, s0  }
0x3: {  	s0 =	stileid.u32;
	s1 =	sshll.u32 s21, $0x4  }
0x4: {  	s1 =	sor.u32 s0, s1  }
0x5: {  	s4 =	smul.u32 $0x140, s1  }
0x6: {  	s3 =	rddreg [dreg:$0x0]  }
0x7: {  	s20 =	rddreg [dreg:$0x1];
	s2 =	simm.s32 $0x0;
	s22 =	smin.u32 s4, $0x25D0  }
0x8: {  	[smem:$0x7FF] =	sst s2;
	s4 =	sshll.u32 s22, $0x4  }
0x9: {  	s1 =	rddreg [dreg:$0x2];
	_ =	strace $0x80000047;
	s3 =	sadd.s32 s3, s4  }
0xa: {  	[tilespmem:s2], [sflag:$0x1] =	stream.linear.gather [hbm4b:s3+s2], $0x1000, $0x38;
	[tilespmem:$0x4180] =	vst v63  }
0xb: {  	s4 =	simm.s32 $0x1000;
	s5 =	sadd.s32 $0x200, s3  }
0xc: {  	[tilespmem:s4], [sflag:$0x2] =	stream.linear.gather [hbm4b:s5+s2], $0x1000, $0x38;
	[tilespmem:$0x4180] =	vst v63  }
0xd: {  	s7 =	simm.s32 $0x2000;
	v0 =	vlaneseq.u32;
	s6 =	sadd.s32 $0x400, s3  }
0xe: {  	v0 =	vmul.u32 $0x80, v0;
	[tilespmem:s7], [sflag:$0x3] =	stream.linear.gather [hbm4b:s6+s2], $0x1000, $0x38;
	[tilespmem:$0x4180] =	vst v63  }
0xf: {  	s9 =	simm.s32 $0x3000;
	s10 =	simm.s32 $0x1;
	s8 =	sadd.s32 $0x600, s3  }
0x10: {  	v1 =	vor.u32 $0x800, v0;
	[tilespmem:s9], [sflag:$0x4] =	stream.linear.gather [hbm4b:s8+s2], $0x1000, $0x38;
	[tilespmem:$0x4180] =	vst v63  }
0x11: {  	_ =	swait.ge [sflag:s10], $0x1000  }
0x12: {  	[sflag:s10] =	ssyncset.done $0x0  }
0x13: {  	[sflag:s10] =	ssyncadd.s32 $0xFFFFF000  }
0x14: {  	v2 =	vld.idx.msk [tilespmem:v0+s2+$0x0], $0xffff  }
0x15: {  	v3 =	vld.idx.msk [tilespmem:v1+s2+$0x0], $0xffff;
	_ =	sdelay $0x1  }
0x16: {  	s11 =	sadd.s32 $0x800, s3  }
0x17: {  	[tilespmem:s2], [sflag:$0x1] =	stream.linear.gather [hbm4b:s11+s2], $0x1000, $0x38;
	[tilespmem:$0x4180] =	vst v63  }
0x18: {  	[tilespmem:$0x4000] =	vst v2  }
0x19: {  	s12 =	simm.s32 $0x2;
	[tilespmem:$0x4010] =	vst v3  }
0x1a: {  	_ =	swait.ge [sflag:s12], $0x1000  }
0x1b: {  	[sflag:s12] =	ssyncset.done $0x0  }
0x1c: {  	[sflag:s12] =	ssyncadd.s32 $0xFFFFF000  }
0x1d: {  	v2 =	vld.idx.msk [tilespmem:v0+s4+$0x0], $0xffff  }
0x1e: {  	v3 =	vld.idx.msk [tilespmem:v1+s4+$0x0], $0xffff;
	_ =	sdelay $0x1  }
0x1f: {  	s13 =	sadd.s32 $0xA00, s3  }
0x20: {  	[tilespmem:s4], [sflag:$0x2] =	stream.linear.gather [hbm4b:s13+s2], $0x1000, $0x38;
	[tilespmem:$0x4180] =	vst v63  }
0x21: {  	[tilespmem:$0x4020] =	vst v2  }
0x22: {  	s14 =	simm.s32 $0x3;
	[tilespmem:$0x4030] =	vst v3  }
0x23: {  	_ =	swait.ge [sflag:s14], $0x1000  }
0x24: {  	[sflag:s14] =	ssyncset.done $0x0  }
0x25: {  	[sflag:s14] =	ssyncadd.s32 $0xFFFFF000  }
0x26: {  	v2 =	vld.idx.msk [tilespmem:v0+s7+$0x0], $0xffff  }
0x27: {  	v3 =	vld.idx.msk [tilespmem:v1+s7+$0x0], $0xffff;
	_ =	sdelay $0x1  }
0x28: {  	s15 =	sadd.s32 $0xC00, s3  }
0x29: {  	[tilespmem:s7], [sflag:$0x3] =	stream.linear.gather [hbm4b:s15+s2], $0x1000, $0x38;
	[tilespmem:$0x4180] =	vst v63  }
0x2a: {  	[tilespmem:$0x4040] =	vst v2  }
0x2b: {  	s16 =	simm.s32 $0x4;
	[tilespmem:$0x4050] =	vst v3  }
0x2c: {  	_ =	swait.ge [sflag:s16], $0x1000  }
0x2d: {  	[sflag:s16] =	ssyncset.done $0x0  }
0x2e: {  	[sflag:s16] =	ssyncadd.s32 $0xFFFFF000  }
0x2f: {  	v2 =	vld.idx.msk [tilespmem:v0+s9+$0x0], $0xffff  }
0x30: {  	v3 =	vld.idx.msk [tilespmem:v1+s9+$0x0], $0xffff;
	_ =	sdelay $0x1  }
0x31: {  	s17 =	sadd.s32 $0xE00, s3  }
0x32: {  	[tilespmem:s9], [sflag:$0x4] =	stream.linear.gather [hbm4b:s17+s2], $0x1000, $0x38;
	[tilespmem:$0x4180] =	vst v63  }
0x33: {  	[tilespmem:$0x4060] =	vst v2  }
0x34: {  	[tilespmem:$0x4070] =	vst v3  }
0x35: {  	_ =	swait.ge [sflag:s10], $0x1000  }
0x36: {  	[sflag:s10] =	ssyncset.done $0x0  }
0x37: {  	[sflag:s10] =	ssyncadd.s32 $0xFFFFF000  }
0x38: {  	v2 =	vld.idx.msk [tilespmem:v0+s2+$0x0], $0xffff  }
0x39: {  	v3 =	vld.idx.msk [tilespmem:v1+s2+$0x0], $0xffff;
	_ =	sdelay $0x1  }
0x3a: {  	s18 =	sadd.s32 $0x1000, s3  }
0x3b: {  	[tilespmem:s2], [sflag:$0x1] =	stream.linear.gather [hbm4b:s18+s2], $0x1000, $0x38;
	[tilespmem:$0x4180] =	vst v63  }
0x3c: {  	[tilespmem:$0x4080] =	vst v2  }
0x3d: {  	[tilespmem:$0x4090] =	vst v3  }
0x3e: {  	_ =	swait.ge [sflag:s12], $0x1000  }
0x3f: {  	[sflag:s12] =	ssyncset.done $0x0  }
0x40: {  	[sflag:s12] =	ssyncadd.s32 $0xFFFFF000  }
0x41: {  	v2 =	vld.idx.msk [tilespmem:v0+s4+$0x0], $0xffff  }
0x42: {  	v3 =	vld.idx.msk [tilespmem:v1+s4+$0x0], $0xffff;
	_ =	sdelay $0x1  }
0x43: {  	s19 =	sadd.s32 $0x1200, s3  }
0x44: {  	[tilespmem:s4], [sflag:$0x2] =	stream.linear.gather [hbm4b:s19+s2], $0x1000, $0x38;
	[tilespmem:$0x4180] =	vst v63  }
0x45: {  	[tilespmem:$0x40A0] =	vst v2  }
0x46: {  	[tilespmem:$0x40B0] =	vst v3  }
0x47: {  	_ =	swait.ge [sflag:s14], $0x1000  }
0x48: {  	[sflag:s14] =	ssyncset.done $0x0  }
0x49: {  	[sflag:s14] =	ssyncadd.s32 $0xFFFFF000  }
0x4a: {  	v2 =	vld.idx.msk [tilespmem:v0+s7+$0x0], $0xffff  }
0x4b: {  	v3 =	vld.idx.msk [tilespmem:v1+s7+$0x0], $0xffff;
	_ =	sdelay $0x3  }
0x4c: {  	[tilespmem:$0x40C0] =	vst v2  }
0x4d: {  	[tilespmem:$0x40D0] =	vst v3  }
0x4e: {  	_ =	swait.ge [sflag:s16], $0x1000  }
0x4f: {  	[sflag:s16] =	ssyncset.done $0x0  }
0x50: {  	[sflag:s16] =	ssyncadd.s32 $0xFFFFF000  }
0x51: {  	v2 =	vld.idx.msk [tilespmem:v0+s9+$0x0], $0xffff  }
0x52: {  	v3 =	vld.idx.msk [tilespmem:v1+s9+$0x0], $0xffff;
	_ =	sdelay $0x3  }
0x53: {  	[tilespmem:$0x40E0] =	vst v2  }
0x54: {  	[tilespmem:$0x40F0] =	vst v3  }
0x55: {  	_ =	swait.ge [sflag:s10], $0x1000  }
0x56: {  	[sflag:s10] =	ssyncset.done $0x0  }
0x57: {  	[sflag:s10] =	ssyncadd.s32 $0xFFFFF000  }
0x58: {  	v2 =	vld.idx.msk [tilespmem:v0+s2+$0x0], $0xffff  }
0x59: {  	s21 =	ssub.s32 $0x2, s21;
	v3 =	vld.idx.msk [tilespmem:v1+s2+$0x0], $0xffff  }
0x5a: {  	s23 =	sshrl.u32 s21, $0x1  }
0x5b: {  	s21 =	ssub.s32 s21, s23  }
0x5c: {  	s23 =	smax.u32 s21, $0x1  }
0x5d: {  	p0 =	sne.s32 s23, $0x1;
	[tilespmem:$0x4100] =	vst v2  }
.Ltmp0:
0x5e: {  	[tilespmem:$0x4110] =	vst v3;
	(pc) =	sbr.rel @!p0 .LBB2_2-.Ltmp0, $4  }
0x5f: {  	_ =	swait.ge [sflag:s12], $0x1000  }
0x60: {  	s22 =	sshrl.u32 s22, $0x3;
	[sflag:s12] =	ssyncset.done $0x0  }
0x61: {  	s21 =	simm.s32 $0x5;
	s20 =	sadd.s32 s22, s20;
	[sflag:s12] =	ssyncadd.s32 $0xFFFFF000  }
0x62: {  	s23 =	sadd.s32 $0xFFFFFFFF, s23;
	s22 =	simm.s32 $0x4000;
	s20 =	sadd.s32 $0x600, s20;
	v2 =	vld.idx.msk [tilespmem:v0+s4+$0x0], $0xffff  }
.LBB2_1:
0x63: {  	p0 =	sne.s32 s23, $0x1;
	s23 =	sadd.s32 $0xFFFFFFFF, s23;
	v3 =	vld.idx.msk [tilespmem:v1+s4+$0x0], $0xffff;
	_ =	sdelay $0x4  }
0x64: {  	[tilespmem:$0x4120] =	vst v2  }
0x65: {  	[tilespmem:$0x4130] =	vst v3  }
0x66: {  	[hbm4b:s20+s2] =	stream.linear.scatter [tilespmem:s22], [sflag:$0x5], $0x140, $0x38;
	[tilespmem:$0x4180] =	vst v63  }
0x67: {  	_ =	swait.ge [sflag:s21], $0x140  }
0x68: {  	[sflag:s21] =	ssyncset.done $0x0  }
0x69: {  	[sflag:s21] =	ssyncadd.s32 $0xFFFFFEC0  }
0x6a: {  	[tilespmem:s2], [sflag:$0x1] =	stream.linear.gather [hbm4b:s3+s2], $0x1000, $0x38;
	[tilespmem:$0x4180] =	vst v63  }
0x6b: {  	_ = 	snop  }
0x6c: {  	[tilespmem:s4], [sflag:$0x2] =	stream.linear.gather [hbm4b:s5+s2], $0x1000, $0x38;
	[tilespmem:$0x4180] =	vst v63  }
0x6d: {  	_ = 	snop  }
0x6e: {  	[tilespmem:s7], [sflag:$0x3] =	stream.linear.gather [hbm4b:s6+s2], $0x1000, $0x38;
	[tilespmem:$0x4180] =	vst v63  }
0x6f: {  	_ = 	snop  }
0x70: {  	[tilespmem:s9], [sflag:$0x4] =	stream.linear.gather [hbm4b:s8+s2], $0x1000, $0x38;
	[tilespmem:$0x4180] =	vst v63  }
0x71: {  	_ =	swait.ge [sflag:s10], $0x1000  }
0x72: {  	[sflag:s10] =	ssyncset.done $0x0  }
0x73: {  	[sflag:s10] =	ssyncadd.s32 $0xFFFFF000  }
0x74: {  	v2 =	vld.idx.msk [tilespmem:v0+s2+$0x0], $0xffff  }
0x75: {  	v3 =	vld.idx.msk [tilespmem:v1+s2+$0x0], $0xffff  }
0x76: {  	[tilespmem:s2], [sflag:$0x1] =	stream.linear.gather [hbm4b:s11+s2], $0x1000, $0x38;
	[tilespmem:$0x4180] =	vst v63  }
0x77: {  	_ =	sdelay $0x2  }
0x78: {  	[tilespmem:$0x4000] =	vst v2  }
0x79: {  	[tilespmem:$0x4010] =	vst v3  }
0x7a: {  	_ =	swait.ge [sflag:s12], $0x1000  }
0x7b: {  	[sflag:s12] =	ssyncset.done $0x0  }
0x7c: {  	[sflag:s12] =	ssyncadd.s32 $0xFFFFF000  }
0x7d: {  	v2 =	vld.idx.msk [tilespmem:v0+s4+$0x0], $0xffff  }
0x7e: {  	v3 =	vld.idx.msk [tilespmem:v1+s4+$0x0], $0xffff  }
0x7f: {  	[tilespmem:s4], [sflag:$0x2] =	stream.linear.gather [hbm4b:s13+s2], $0x1000, $0x38;
	[tilespmem:$0x4180] =	vst v63  }
0x80: {  	_ =	sdelay $0x2  }
0x81: {  	[tilespmem:$0x4020] =	vst v2  }
0x82: {  	[tilespmem:$0x4030] =	vst v3  }
0x83: {  	_ =	swait.ge [sflag:s14], $0x1000  }
0x84: {  	[sflag:s14] =	ssyncset.done $0x0  }
0x85: {  	[sflag:s14] =	ssyncadd.s32 $0xFFFFF000  }
0x86: {  	v2 =	vld.idx.msk [tilespmem:v0+s7+$0x0], $0xffff  }
0x87: {  	v3 =	vld.idx.msk [tilespmem:v1+s7+$0x0], $0xffff  }
0x88: {  	[tilespmem:s7], [sflag:$0x3] =	stream.linear.gather [hbm4b:s15+s2], $0x1000, $0x38;
	[tilespmem:$0x4180] =	vst v63  }
0x89: {  	_ =	sdelay $0x2  }
0x8a: {  	[tilespmem:$0x4040] =	vst v2  }
0x8b: {  	[tilespmem:$0x4050] =	vst v3  }
0x8c: {  	_ =	swait.ge [sflag:s16], $0x1000  }
0x8d: {  	[sflag:s16] =	ssyncset.done $0x0  }
0x8e: {  	[sflag:s16] =	ssyncadd.s32 $0xFFFFF000  }
0x8f: {  	v2 =	vld.idx.msk [tilespmem:v0+s9+$0x0], $0xffff  }
0x90: {  	v3 =	vld.idx.msk [tilespmem:v1+s9+$0x0], $0xffff  }
0x91: {  	[tilespmem:s9], [sflag:$0x4] =	stream.linear.gather [hbm4b:s17+s2], $0x1000, $0x38;
	[tilespmem:$0x4180] =	vst v63  }
0x92: {  	_ =	sdelay $0x2  }
0x93: {  	[tilespmem:$0x4060] =	vst v2  }
0x94: {  	[tilespmem:$0x4070] =	vst v3  }
0x95: {  	_ =	swait.ge [sflag:s10], $0x1000  }
0x96: {  	[sflag:s10] =	ssyncset.done $0x0  }
0x97: {  	[sflag:s10] =	ssyncadd.s32 $0xFFFFF000  }
0x98: {  	v2 =	vld.idx.msk [tilespmem:v0+s2+$0x0], $0xffff  }
0x99: {  	v3 =	vld.idx.msk [tilespmem:v1+s2+$0x0], $0xffff  }
0x9a: {  	[tilespmem:s2], [sflag:$0x1] =	stream.linear.gather [hbm4b:s18+s2], $0x1000, $0x38;
	[tilespmem:$0x4180] =	vst v63  }
0x9b: {  	_ =	sdelay $0x2  }
0x9c: {  	[tilespmem:$0x4080] =	vst v2  }
0x9d: {  	[tilespmem:$0x4090] =	vst v3  }
0x9e: {  	_ =	swait.ge [sflag:s12], $0x1000  }
0x9f: {  	[sflag:s12] =	ssyncset.done $0x0  }
0xa0: {  	[sflag:s12] =	ssyncadd.s32 $0xFFFFF000  }
0xa1: {  	v2 =	vld.idx.msk [tilespmem:v0+s4+$0x0], $0xffff  }
0xa2: {  	v3 =	vld.idx.msk [tilespmem:v1+s4+$0x0], $0xffff  }
0xa3: {  	[tilespmem:s4], [sflag:$0x2] =	stream.linear.gather [hbm4b:s19+s2], $0x1000, $0x38;
	[tilespmem:$0x4180] =	vst v63  }
0xa4: {  	_ =	sdelay $0x2  }
0xa5: {  	[tilespmem:$0x40A0] =	vst v2  }
0xa6: {  	[tilespmem:$0x40B0] =	vst v3  }
0xa7: {  	_ =	swait.ge [sflag:s14], $0x1000  }
0xa8: {  	[sflag:s14] =	ssyncset.done $0x0  }
0xa9: {  	[sflag:s14] =	ssyncadd.s32 $0xFFFFF000  }
0xaa: {  	v2 =	vld.idx.msk [tilespmem:v0+s7+$0x0], $0xffff  }
0xab: {  	v3 =	vld.idx.msk [tilespmem:v1+s7+$0x0], $0xffff;
	_ =	sdelay $0x4  }
0xac: {  	[tilespmem:$0x40C0] =	vst v2  }
0xad: {  	[tilespmem:$0x40D0] =	vst v3  }
0xae: {  	_ =	swait.ge [sflag:s16], $0x1000  }
0xaf: {  	[sflag:s16] =	ssyncset.done $0x0  }
0xb0: {  	[sflag:s16] =	ssyncadd.s32 $0xFFFFF000  }
0xb1: {  	v2 =	vld.idx.msk [tilespmem:v0+s9+$0x0], $0xffff  }
0xb2: {  	v3 =	vld.idx.msk [tilespmem:v1+s9+$0x0], $0xffff;
	_ =	sdelay $0x4  }
0xb3: {  	[tilespmem:$0x40E0] =	vst v2  }
0xb4: {  	[tilespmem:$0x40F0] =	vst v3  }
0xb5: {  	_ =	swait.ge [sflag:s10], $0x1000  }
0xb6: {  	[sflag:s10] =	ssyncset.done $0x0  }
0xb7: {  	[sflag:s10] =	ssyncadd.s32 $0xFFFFF000  }
0xb8: {  	v2 =	vld.idx.msk [tilespmem:v0+s2+$0x0], $0xffff  }
0xb9: {  	v3 =	vld.idx.msk [tilespmem:v1+s2+$0x0], $0xffff;
	_ =	sdelay $0x4  }
0xba: {  	[tilespmem:$0x4100] =	vst v2  }
.Ltmp1:
0xbb: {  	[tilespmem:$0x4110] =	vst v3;
	(pc) =	sbr.rel @p0 .LBB2_1-.Ltmp1, $4  }
0xbc: {  	_ =	swait.ge [sflag:s12], $0x1000  }
0xbd: {  	[sflag:s12] =	ssyncset.done $0x0  }
0xbe: {  	[sflag:s12] =	ssyncadd.s32 $0xFFFFF000  }
0xbf: {  	v2 =	vld.idx.msk [tilespmem:v0+s4+$0x0], $0xffff  }
.LBB2_2:
0xc0: {  	_ =	sdelay $0x3  }
0xc1: {  	v0 =	vld.idx.msk [tilespmem:v1+s4+$0x0], $0xffff;
	_ =	sdelay $0x3  }
0xc2: {  	[tilespmem:$0x4120] =	vst v2  }
0xc3: {  	[tilespmem:$0x4130] =	vst v0  }
0xc4: {  	[hbm4b:s20+s2] =	stream.linear.scatter [tilespmem:s22], [sflag:$0x5], $0x140, $0x38;
	[tilespmem:$0x4180] =	vst v63  }
0xc5: {  	_ =	swait.ge [sflag:s21], $0x140  }
0xc6: {  	[sflag:s21] =	ssyncset.done $0x0  }
0xc7: {  	[sflag:s21] =	ssyncadd.s32 $0xFFFFFEC0  }
0xc8: {  	_ =	sfence.sel $0x180000  }
0xc9: {  	[bflag:$0x0] =	sbarrier.arrive $0xFFFF  }
0xca: {  	p0 =	sne.s32 s0, $0x0;
	_ =	strace $0x90000047  }
0xcb: {  	s0 =	sadd.s32 @!p0 $0x100000, s1;
	[bflag:$0x2] =	sbarrier.arrive $0xFFFF  }
0xcc: {  	[sflag:s0] =	ssyncadd.tile.s32 @!p0 $0x1;
	_ =	shalt  }
.Lfunc_end2:
_tile_overlayer_lowered:
.L_overlay_start_2:
0xcd: {  	(tag) =	ssettag $0x2  }
0xce: {  	s0 =	rddreg [dreg:$0x0];
	s2 =	stileid.u32  }
0xcf: {  	s1 =	rddreg [dreg:$0x1];
	p0 =	sne.s32 s2, $0x0  }
0xd0: {  	s3 =	rddreg [dreg:$0x2];
	[bflag:$0x3] =	sbarrier.arrive $0xFFFF;
	s2 =	simm.s32 @!p0 $0x1C05  }
0xd1: {  	[timem:s3], [sflag:s2] =	dma.local @!p0 [hbm:s0], s1  }
0xd2: {  	s0 =	simm.s32 @!p0 $0x5  }
0xd3: {  	_ =	swait.ge @!p0 [sflag:s0], s1  }
0xd4: {  	s1 =	ssub.s32 @!p0 $0x0, s1;
	[sflag:s0] =	ssyncset.done @!p0 $0x0  }
0xd5: {  	[sflag:s0] =	ssyncadd.s32 @!p0 s1  }
0xd6: {  	[bflag:$0x3] =	sbarrier.arrive $0xFFFF  }
0xd7: {  	_ =	shalt  }

// kernel: kernel.8.cloned.1.call-start
scs
__scs_entry_jumppad:
0x0: {  	(pc) =	sbr.rel $0x88, $3  }
0x1: {  	(tag) =	ssettag $0x0;
	lr =	simm.s32 $0x1  }
0x2: {  	[smem:$0x3F9D] =	sst lr;
	_ =	strace $0xD0000000  }
0x3: {  	_ = 	snop  }
0x4: {  	_ = 	snop  }
0x5: {  	_ = 	snop  }
0x6: {  	_ = 	snop  }
0x7: {  	_ = 	snop  }
__scs_overlays_trampoline_lowered:
0x8: {  	[smem:$0x3FAC] =	sst s0  }
0x9: {  	[smem:$0x3FAD] =	sst s1  }
0xa: {  	[smem:$0x3FAE] =	sst s2  }
0xb: {  	[smem:$0x3FAF] =	sst s3  }
0xc: {  	[smem:$0x3FB0] =	sst s4  }
0xd: {  	[smem:$0x3FB1] =	sst s5  }
0xe: {  	[smem:$0x3FB2] =	sst s6  }
0xf: {  	[smem:$0x3FB3] =	sst s7  }
0x10: {  	[smem:$0x3FB4] =	sst s8  }
0x11: {  	[smem:$0x3FB5] =	sst s9;
	s0 =	simm.s32 @!p0 $0x0  }
0x12: {  	s1 =	sld [smem:$0x3F9B];
	s0 =	simm.s32 @p0 $0x1  }
0x13: {  	[smem:$0x3FB6] =	sst s0;
	s0 =	simm.s32 @!p1 $0x0  }
0x14: {  	s2 =	sld [smem:$0x3F9A];
	s0 =	simm.s32 @p1 $0x1  }
0x15: {  	[smem:$0x3FB7] =	sst s0;
	s0 =	simm.s32 @!p2 $0x0  }
0x16: {  	s3 =	sld [smem:$0x3FDB];
	s0 =	simm.s32 @p2 $0x1  }
0x17: {  	s4 =	simm.s32 $0x1BF5;
	[smem:$0x3FB9] =	sst s0  }
0x18: {  	s0 =	sld [smem:$0x3F9C];
	_ =	swait.ge [sflag:s4], $0x0  }
0x19: {  	s7 =	sld [smem:$0x3F9D]  }
0x1a: {  	s8 =	sadd.s32 $0xFFFFE003, lr  }
0x1b: {  	s9 =	sadd.s32 $0xFFFFFEF7, lr;
	s5 =	simm.s32 $0xFFFFFFFF;
	p2 =	slt.u32 s8, $0xFFFFF086  }
0x1c: {  	p1 =	slt.u32 s9, $0xF7A;
	s5 =	simm.s32 @!p2 $0x0  }
0x1d: {  	s5 =	simm.s32 @p1 $0x1;
	p0 =	seq.s32 s7, s2  }
0x1e: {  	s7 =	smul.u32 @!p0 $0xF7A, s2;
	p2 =	seq.s32 @!p0 s5, $0x0  }
0x1f: {  	s9 =	smul.u32 $0xF7A, s1;
	s8 =	simm.s32 @!p0 $0x1BF5;
	p2 =	por !p2, p0  }
0x20: {  	[sflag:s8] =	ssyncset.s32 @!p0 $0xFFFFF086;
	s6 =	sadd.s32 @!p0 s3, s7;
	s7 =	simm.s32 @!p0 $0x108  }
0x21: {  	s3 =	sadd.s32 s3, s9;
	s6 =	sadd.s32 @!p0 $0x88, s6;
	s7 =	simm.s32 @p2 $0x1082  }
0x22: {  	[simem:s7], [sflag:s8] =	dma.local @!p0 [hbm:s6], $0xF7A  }
0x23: {  	s9 =	sor.u32 $0xD0000000, s2;
	s6 =	simm.s32 $0x108;
	_ =	swait.ge @!p0 [sflag:s8], $0x0  }
0x24: {  	s3 =	sadd.s32 $0x88, s3;
	s6 =	simm.s32 @!p1 $0x1082;
	[sflag:s4] =	ssyncset.s32 $0xFFFFF086  }
0x25: {  	[simem:s6], [sflag:s4] =	dma.local [hbm:s3], $0xF7A  }
0x26: {  	[smem:$0x3F9D] =	sst s1;
	(tag) =	ssettag s2;
	_ =	strace s9  }
0x27: {  	s1 =	sld [smem:$0x3FAD]  }
0x28: {  	s2 =	sld [smem:$0x3FAE]  }
0x29: {  	s4 =	sld [smem:$0x3FB0]  }
0x2a: {  	p0 =	seq.s32 s5, $0x0;
	s5 =	sld [smem:$0x3FB1]  }
0x2b: {  	s6 =	sld [smem:$0x3FB2]  }
0x2c: {  	s7 =	sld [smem:$0x3FB3]  }
0x2d: {  	s3 =	simm.s32 $0x108;
	s8 =	sld [smem:$0x3FB4]  }
0x2e: {  	s3 =	simm.s32 @!p0 $0x1082;
	s9 =	sld [smem:$0x3FB5]  }
0x2f: {  	lr =	sadd.s32 s0, s3;
	s0 =	sld [smem:$0x3FAC]  }
0x30: {  	s3 =	sld [smem:$0x3FAF]  }
0x31: {  	[smem:$0x3FB8] =	sst s10  }
0x32: {  	s10 =	sld [smem:$0x3FB6];
	_ =	sdelay $0x3  }
0x33: {  	p0 =	seq.s32 s10, $0x1;
	s10 =	sld [smem:$0x3FB8];
	_ =	sdelay $0x3  }
0x34: {  	[smem:$0x3FB8] =	sst s10  }
0x35: {  	s10 =	sld [smem:$0x3FB7];
	_ =	sdelay $0x3  }
0x36: {  	p1 =	seq.s32 s10, $0x1;
	s10 =	sld [smem:$0x3FB8];
	_ =	sdelay $0x3  }
0x37: {  	[smem:$0x3FB8] =	sst s10  }
0x38: {  	s10 =	sld [smem:$0x3FB9]  }
0x39: {  	_ = 	snop;
	(pc) =	sbr.ind lr, $3  }
0x3a: {  	_ = 	snop  }
0x3b: {  	_ = 	snop  }
0x3c: {  	p2 =	seq.s32 s10, $0x1;
	s10 =	sld [smem:$0x3FB8]  }
0x3d: {  	_ =	shalt  }
0x3e: {  	_ =	shalt  }
0x3f: {  	_ =	shalt  }
0x40: {  	_ =	shalt  }
0x41: {  	_ =	shalt  }
0x42: {  	_ =	shalt  }
0x43: {  	_ =	shalt  }
0x44: {  	_ =	shalt  }
0x45: {  	_ =	shalt  }
0x46: {  	_ =	shalt  }
0x47: {  	_ =	shalt  }
0x48: {  	_ =	shalt  }
0x49: {  	_ =	shalt  }
0x4a: {  	_ =	shalt  }
0x4b: {  	_ =	shalt  }
0x4c: {  	_ =	shalt  }
0x4d: {  	_ =	shalt  }
0x4e: {  	_ =	shalt  }
0x4f: {  	_ =	shalt  }
0x50: {  	_ =	shalt  }
0x51: {  	_ =	shalt  }
0x52: {  	_ =	shalt  }
0x53: {  	_ =	shalt  }
0x54: {  	_ =	shalt  }
0x55: {  	_ =	shalt  }
0x56: {  	_ =	shalt  }
0x57: {  	_ =	shalt  }
0x58: {  	_ =	shalt  }
0x59: {  	_ =	shalt  }
0x5a: {  	_ =	shalt  }
0x5b: {  	_ =	shalt  }
0x5c: {  	_ =	shalt  }
0x5d: {  	_ =	shalt  }
0x5e: {  	_ =	shalt  }
0x5f: {  	_ =	shalt  }
0x60: {  	_ =	shalt  }
0x61: {  	_ =	shalt  }
0x62: {  	_ =	shalt  }
0x63: {  	_ =	shalt  }
0x64: {  	_ =	shalt  }
0x65: {  	_ =	shalt  }
0x66: {  	_ =	shalt  }
0x67: {  	_ =	shalt  }
0x68: {  	_ =	shalt  }
0x69: {  	_ =	shalt  }
0x6a: {  	_ =	shalt  }
0x6b: {  	_ =	shalt  }
0x6c: {  	_ =	shalt  }
0x6d: {  	_ =	shalt  }
0x6e: {  	_ =	shalt  }
0x6f: {  	_ =	shalt  }
0x70: {  	_ =	shalt  }
0x71: {  	_ =	shalt  }
0x72: {  	_ =	shalt  }
0x73: {  	_ =	shalt  }
0x74: {  	_ =	shalt  }
0x75: {  	_ =	shalt  }
0x76: {  	_ =	shalt  }
0x77: {  	_ =	shalt  }
0x78: {  	_ =	shalt  }
0x79: {  	_ =	shalt  }
0x7a: {  	_ =	shalt  }
0x7b: {  	_ =	shalt  }
0x7c: {  	_ =	shalt  }
0x7d: {  	_ =	shalt  }
0x7e: {  	_ =	shalt  }
0x7f: {  	_ =	shalt  }
0x80: {  	_ =	shalt  }
0x81: {  	_ =	shalt  }
0x82: {  	_ =	shalt  }
0x83: {  	_ =	shalt  }
0x84: {  	_ =	shalt  }
0x85: {  	_ =	shalt  }
0x86: {  	_ =	shalt  }
0x87: {  	_ =	shalt  }
.Lfunc_end0:
.L_simem_size_0:
called_computation.1_lowered:
.L_overlay_start_0:
0x88: {  	s2 =	sld [smem:$0x3FD9]  }
0x89: {  	s3 =	sld [smem:$0x3FFE];
	_ =	sdelay $0x1  }
0x8a: {  	s1 =	srdreg.scid  }
0x8b: {  	s0 =	sand.u32 $0x1, s1  }
0x8c: {  	s17 =	sshll.u32 s0, $0xA;
	s2 =	sadd.s32 s3, s2  }
0x8d: {  	s2 =	sadd.s32 s2, s17  }
0x8e: {  	[smem:$0x3FC4] =	sst s2  }
0x8f: {  	_ = 	snop  }
0x90: {  	s2 =	sld [smem:$0x3FC7];
	(tm) =	ssettm $0x1  }
0x91: {  	s18 =	sld [smem:$0x3FFB];
	_ =	sdelay $0x3  }
0x92: {  	_ =	strace s18  }
0x93: {  	s3 =	sld [smem:$0x3FFC];
	_ =	sdelay $0x3  }
0x94: {  	_ =	strace s3  }
0x95: {  	s3 =	sld [smem:$0x3FFD];
	_ =	sdelay $0x3  }
0x96: {  	_ =	strace s3  }
0x97: {  	_ =	strace $0x8FFFFFFF  }
0x98: {  	s19 =	sld [smem:$0x3FDB];
	_ =	sdelay $0x1  }
0x99: {  	s4 =	simm.s32 $_scs_section_size  }
0x9a: {  	s5 =	simm.s32 $_size__tile_overlayer_lowered;
	s6 =	simm.s32 $_tile_overlayer_lowered  }
0x9b: {  	s22 =	simm.s32 $0x1BFF;
	s21 =	sshll.u32 s6, $0x1;
	s3 =	sadd.s32 s4, s19  }
0x9c: {  	s7 =	simm.s32 $0x0;
	s20 =	sshll.u32 s5, $0x1;
	s5 =	sadd.s32 s21, s3  }
0x9d: {  	[timem:s7], [sflag:s22] =	dma.local [hbm:s5], s20  }
0x9e: {  	_ =	swait.ge [sflag:s22], s20  }
0x9f: {  	s4 =	ssub.s32 $0x0, s20;
	[sflag:s22] =	ssyncset.done $0x0  }
0xa0: {  	[sflag:s22] =	ssyncadd.s32 s4;
	_ =	sdelay $0x1  }
0xa1: {  	s23 =	simm.s32 $0x1B8B  }
0xa2: {  	_ =	swait.ge [sflag:s23], $0x1  }
0xa3: {  	[sflag:s23] =	ssyncset.done $0x0  }
0xa4: {  	s25 =	simm.s32 $0x1B8E;
	s24 =	sld [smem:$0x3FFE];
	[sflag:s23] =	ssyncadd.s32 $0xFFFFFFFF  }
0xa5: {  	s26 =	simm.s32 $execute0_lowered;
	[smem:$0x3FD2] =	sst s25  }
0xa6: {  	s5 =	sshll.u32 s26, $0x1;
	_ =	strace $0x80000049;
	[dreg:$0x1] =	wrdreg $0xFFFFFFFF  }
0xa7: {  	s28 =	simm.s32 $_size_execute0_lowered;
	s3 =	sadd.s32 s3, s5;
	[dreg:$0x0] =	wrdreg $0x0  }
0xa8: {  	s5 =	sshll.u32 s28, $0x1;
	[dreg:$0x2] =	wrdreg s3  }
0xa9: {  	[dreg:$0x3] =	wrdreg s5  }
0xaa: {  	[dreg:$0x4] =	wrdreg $0xC0  }
0xab: {  	_ =	task [dreg:s7], $0x5FFFF  }
0xac: {  	[dreg:$0x1] =	wrdreg $0xFFFFFFFF  }
0xad: {  	[dreg:$0x0] =	wrdreg $0x60  }
0xae: {  	[dreg:$0x2] =	wrdreg s24  }
0xaf: {  	[dreg:$0x3] =	wrdreg s2  }
0xb0: {  	[dreg:$0x4] =	wrdreg $0xDE000  }
0xb1: {  	[dreg:$0x5] =	wrdreg $0x9  }
0xb2: {  	_ =	task.clear_ibuf [dreg:s7], $0x6FFFF;
	_ =	strace $0x90000049  }
0xb3: {  	s29 =	simm.s32 $0x9;
	_ =	strace $0x8000004B  }
0xb4: {  	_ =	swait.ge [sflag:s29], $0x1  }
0xb5: {  	[sflag:s29] =	ssyncadd.s32 $0xFFFFFFFF  }
0xb6: {  	_ =	strace $0x9000004B  }
0xb7: {  	_ =	sfence  }
0xb8: {  	s30 =	sld [smem:$0x0];
	_ =	sdelay $0x2  }
0xb9: {  	s31 =	sshll.u32 s1, $0xD;
	s1 =	sshrl.u32 s1, $0x2  }
0xba: {  	s3 =	sand.u32 $0x4000, s31;
	s1 =	sadd.s32 s1, s30  }
0xbb: {  	s0 =	sor.u32 s3, s0;
	s1 =	sshll.u32 s1, $0x11  }
0xbc: {  	s0 =	sor.u32 s1, s0  }
0xbd: {  	s0 =	sadd.s32 $0x8F2B, s0  }
0xbe: {  	[sflag:s0] =	ssyncadd.remote.s32 $0x1  }
0xbf: {  	_ =	sfence.sel $0xFFFF  }
0xc0: {  	[dreg:$0x0] =	wrdreg $0xFFFFFFFF;
	(pc) =	sbr.abs _section_cstart, $3  }
0xc1: {  	[dreg:$0x1] =	wrdreg $0xFFFFFFFF  }
0xc2: {  	_ =	task.clear_ibuf [dreg:s7], $0x2FFFF;
	_ =	strace $0x9FFFFFFF  }
0xc3: {  	(tm) =	ssettm $0x7FFFFFFF  }
tec
execute0_lowered:
.L_overlay_start_1:
0x0: {  	(tag) =	ssettag $0x1  }
0x1: {  	s0 =	rddreg [dreg:$0x0]  }
0x2: {  	s1 =	srdreg.scid;
	s3 =	rddreg [dreg:$0x1]  }
0x3: {  	s4 =	rddreg [dreg:$0x2];
	s10 =	stileid.u32  }
0x4: {  	s2 =	simm.s32 $0x0;
	s18 =	simm.s32 $0x6;
	s28 =	simm.s32 $0x7  }
0x5: {  	s13 =	simm.s32 $0x0;
	s1 =	sand.u32 $0x1, s1;
	[smem:$0x7FF] =	sst s2  }
0x6: {  	s6 =	smul.u32 $0x500, s10;
	s7 =	sadd.s32 $0x600, s0;
	s9 =	sshrl.u32 s10, $0x3  }
0x7: {  	s24 =	sshll.u32 s10, $0x7;
	s26 =	smul.u32 $0x5000, s10;
	s5 =	sshll.u32 s1, $0x4  }
0x8: {  	_ =	strace $0x8000004A;
	[dreg:$0x4] =	wrdreg s7;
	s19 =	sshll.u32 s1, $0x7  }
0x9: {  	s1 =	ssub.s32 $0x2, s1;
	s21 =	smul.u32 $0x50000, s9;
	s5 =	sor.u32 s10, s5  }
0xa: {  	s6 =	sor.u32 s19, s6;
	s20 =	sshrl.u32 s1, $0x1;
	s31 =	sshrl.u32 s26, $0x2  }
0xb: {  	s19 =	simm.s32 $0x1;
	s5 =	smul.u32 $0x1388, s5;
	s6 =	sshrl.u32 s6, $0x3  }
0xc: {  	s1 =	ssub.s32 s1, s20;
	s25 =	sshrl.u32 s21, $0x2;
	s10 =	sadd.s32 s31, s4  }
0xd: {  	s20 =	simm.s32 $0x2;
	s21 =	simm.s32 $0x3;
	s5 =	sshrl.u32 s5, $0x3  }
0xe: {  	s12 =	smax.u32 s1, $0x1;
	s8 =	sadd.s32 s5, s0;
	s3 =	sadd.s32 s3, s5  }
0xf: {  	s0 =	sadd.s32 s6, s0;
	s22 =	sadd.s32 $0xC00, s8;
	[dreg:$0x7] =	wrdreg s3  }
0x10: {  	s5 =	sadd.s32 s25, s4;
	s23 =	sadd.s32 $0x5A20, s8;
	[dreg:$0x5] =	wrdreg s22  }
0x11: {  	s25 =	simm.s32 $0x80;
	s29 =	sadd.s32 $0xFA00, s8;
	[dreg:$0x6] =	wrdreg s23  }
0x12: {  	s3 =	sand.u32 $0x380, s24;
	s30 =	sadd.s32 $0xAA00, s8;
	[dreg:$0x8] =	wrdreg s29  }
0x13: {  	s11 =	sadd.s32 $0x14A00, s0;
	s24 =	simm.s32 $0x8B80;
	[dreg:$0x9] =	wrdreg s30  }
0x14: {  	v0 =	vimm.f32 $0.0e+00;
	vm0 =	vmmov $0xff;
	s9 =	sadd.s32 s3, s5;
	s22 =	simm.s32 $0x4;
	s23 =	simm.s32 $0x5  }
.LBB2_1:
0x15: {  	s0 =	rddreg [dreg:$0x4]  }
0x16: {  	[tilespmem:s2], [sflag:$0x6] =	stream.linear.gather [hbm4b:s0+s2], $0x2780, $0x38;
	[tilespmem:$0x10600] =	vst v63  }
0x17: {  	s8 =	rddreg [dreg:$0x5];
	s1 =	simm.s32 $0x2780  }
0x18: {  	[tilespmem:s1], [sflag:$0x1] =	stream.linear.gather [hbm4b:s8+s2], $0x1388, $0x38;
	[tilespmem:$0x10600] =	vst v63  }
0x19: {  	s14 =	rddreg [dreg:$0x6];
	s15 =	simm.s32 $0x3B80  }
0x1a: {  	[tilespmem:s15], [sflag:$0x2] =	stream.linear.gather [hbm4b:s14+s2], $0x1388, $0x38;
	[tilespmem:$0x10600] =	vst v63  }
0x1b: {  	s16 =	rddreg [dreg:$0x7];
	s17 =	simm.s32 $0x4F80  }
0x1c: {  	[tilespmem:s17], [sflag:$0x3] =	stream.linear.gather [hbm4b:s16+s2], $0x1388, $0x38;
	[tilespmem:$0x10600] =	vst v63  }
0x1d: {  	s26 =	rddreg [dreg:$0x8];
	s29 =	simm.s32 $0x6380  }
0x1e: {  	[tilespmem:s29], [sflag:$0x4] =	stream.linear.gather [hbm4b:s26+s2], $0x1388, $0x38;
	[tilespmem:$0x10600] =	vst v63  }
0x1f: {  	s30 =	rddreg [dreg:$0x9];
	s31 =	simm.s32 $0x7780;
	s0 =	simm.s32 $0x8BC0  }
0x20: {  	[tilespmem:s31], [sflag:$0x5] =	stream.linear.gather [hbm4b:s30+s2], $0x1388, $0x38;
	[tilespmem:$0x10600] =	vst v63  }
0x21: {  	[tilespmem:s0+$0xFFFFFFC0] =	vst v0  }
0x22: {  	[tilespmem:s0+$0x30] =	vst v0  }
0x23: {  	[tilespmem:s0+$0x20] =	vst v0  }
0x24: {  	[tilespmem:s0+$0x10] =	vst v0  }
0x25: {  	[tilespmem:s0+$0x0] =	vst v0  }
0x26: {  	[tilespmem:s0+$0xFFFFFFF0] =	vst v0  }
0x27: {  	s1 =	simm.s32 $0x0;
	[tilespmem:s0+$0xFFFFFFE0] =	vst v0  }
.LBB2_2:
0x28: {  	s1 =	sadd.s32 $0x8, s1;
	[tilespmem:s0+$0xFFFFFFD0] =	vst v0;
	s0 =	sadd.s32 $0x80, s0  }
0x29: {  	[tilespmem:s0+$0xFFFFFFC0] =	vst v0;
	p0 =	slt.u32 s1, $0x278  }
0x2a: {  	[tilespmem:s0+$0x30] =	vst v0  }
.Ltmp0:
0x2b: {  	[tilespmem:s0+$0x20] =	vst v0;
	(pc) =	sbr.rel @p0 .LBB2_2-.Ltmp0, $4  }
0x2c: {  	[tilespmem:s0+$0x10] =	vst v0  }
0x2d: {  	[tilespmem:s0+$0x0] =	vst v0  }
0x2e: {  	[tilespmem:s0+$0xFFFFFFF0] =	vst v0  }
0x2f: {  	[tilespmem:s0+$0xFFFFFFE0] =	vst v0  }
0x30: {  	[tilespmem:s0+$0xFFFFFFD0] =	vst v0  }
0x31: {  	_ =	swait.ge [sflag:s18], $0x2780  }
0x32: {  	[sflag:s18] =	ssyncset.done $0x0  }
0x33: {  	[sflag:s18] =	ssyncadd.s32 $0xFFFFD880  }
0x34: {  	_ =	swait.ge [sflag:s19], $0x1388  }
0x35: {  	[sflag:s19] =	ssyncset.done $0x0  }
0x36: {  	[sflag:s19] =	ssyncadd.s32 $0xFFFFEC78  }
0x37: {  	_ =	swait.ge [sflag:s20], $0x1388  }
0x38: {  	[sflag:s20] =	ssyncset.done $0x0  }
0x39: {  	[sflag:s20] =	ssyncadd.s32 $0xFFFFEC78  }
0x3a: {  	_ =	swait.ge [sflag:s21], $0x1388  }
0x3b: {  	[sflag:s21] =	ssyncset.done $0x0  }
0x3c: {  	[sflag:s21] =	ssyncadd.s32 $0xFFFFEC78  }
0x3d: {  	_ =	swait.ge [sflag:s22], $0x1388  }
0x3e: {  	[sflag:s22] =	ssyncset.done $0x0  }
0x3f: {  	[sflag:s22] =	ssyncadd.s32 $0xFFFFEC78  }
0x40: {  	_ =	swait.ge [sflag:s23], $0x1388  }
0x41: {  	[sflag:s23] =	ssyncset.done $0x0  }
0x42: {  	s26 =	simm.s32 $0x4FA0;
	[sflag:s23] =	ssyncadd.s32 $0xFFFFEC78  }
0x43: {  	v1 =	vld [tilespmem:s26+$0x10];
	_ =	sdelay $0x4  }
0x44: {  	v1 =	vsub.f32 $0.0e+00, v1;
	_ =	sdelay $0x1  }
0x45: {  	v2 =	vld [tilespmem:s26+$0xFFFFFFE0];
	v1 =	vmul.f32 $1.442695020e+00, v1  }
0x46: {  	v3 =	vld [tilespmem:s26+$0xFFFFFFF0]  }
0x47: {  	(erf) = vpow2.f32 v1  }
0x48: {  	s3 =	simm.s32 $0x77A0  }
0x49: {  	s1 =	simm.s32 $0x63A0;
	v4 =	vld [tilespmem:s3+$0x10]  }
0x4a: {  	v1 =	vsub.f32 $0.0e+00, v2;
	v2 =	vld [tilespmem:s1+$0x10]  }
0x4b: {  	v5 =	vld [tilespmem:s26+$0x0];
	v3 =	vsub.f32 $0.0e+00, v3  }
0x4c: {  	v1 =	vmul.f32 $1.442695020e+00, v1  }
0x4d: {  	s30 =	simm.s32 $0x27A0;
	v6 =	vld [tilespmem:s1+$0xFFFFFFE0];
	v3 =	vmul.f32 $1.442695020e+00, v3  }
0x4e: {  	v7 =	vld [tilespmem:s30+$0x10];
	(erf) = vpow2.f32 v1  }
0x4f: {  	s4 =	simm.s32 $0x3BA0;
	v9 =	vld [tilespmem:s3+$0xFFFFFFF0];
	(erf) = vpow2.f32 v3;
	v2 =	vadd.f32 v4, v2  }
0x50: {  	v3 =	vld [tilespmem:s4+$0x10];
	v4 =	vsub.f32 $0.0e+00, v5;
	v8 =	vpop (erf)  }
0x51: {  	v1 =	vld [tilespmem:s3+$0xFFFFFFE0];
	v2 =	vadd.f32 $9.999999970e-07, v2;
	v8 =	vadd.f32 $1.000000000e+00, v8  }
0x52: {  	v5 =	vld [tilespmem:s1+$0xFFFFFFF0]  }
0x53: {  	v4 =	vmul.f32 $1.442695020e+00, v4;
	v2 =	vmul.f32 v8, v2  }
0x54: {  	v11 =	vld [tilespmem:s4+$0xFFFFFFE0]  }
0x55: {  	(erf) = vpow2.f32 v4;
	v4 =	vld [tilespmem:s30+$0xFFFFFFF0]  }
0x56: {  	v1 =	vadd.f32 v1, v6;
	v6 =	vld.idx.msk [tilespmem:v7+s2+$0x0], $0xffff;
	(erf) = vrcp.f32 v2  }
0x57: {  	v5 =	vadd.f32 v9, v5;
	v8 =	vld [tilespmem:s4+$0xFFFFFFF0];
	v2 =	vpop (erf)  }
0x58: {  	v10 =	vadd.f32 $9.999999970e-07, v1;
	v12 =	vld.idx.msk [tilespmem:v3+s2+$0x0], $0xffff;
	v2 =	vadd.f32 $1.000000000e+00, v2;
	v9 =	vpop (erf)  }
0x59: {  	v13 =	vld [tilespmem:s1+$0x0];
	v5 =	vadd.f32 $9.999999970e-07, v5;
	v9 =	vadd.f32 $1.000000000e+00, v9  }
0x5a: {  	s31 =	simm.s32 $0x4FE0;
	v14 =	vld [tilespmem:s30+$0xFFFFFFE0];
	v2 =	vmul.f32 v2, v10  }
0x5b: {  	v17 =	vld [tilespmem:s31+$0x10];
	v5 =	vmul.f32 v9, v5  }
0x5c: {  	v1 =	vld [tilespmem:s30+$0x0];
	(erf) = vrcp.f32 v2  }
0x5d: {  	v10 =	vld [tilespmem:s3+$0x0];
	(erf) = vrcp.f32 v5;
	v5 =	vsub.f32 v6, v12  }
0x5e: {  	v9 =	vld.idx.msk [tilespmem:v4+s2+$0x0], $0xffff;
	v6 =	vpop (erf)  }
0x5f: {  	s14 =	simm.s32 $0x63E0;
	v15 =	vld.idx.msk [tilespmem:v8+s2+$0x0], $0xffff;
	v12 =	vpop (erf);
	v5 =	vand.u32 $0x7FFFFFFF, v5  }
0x60: {  	v20 =	vld [tilespmem:s14+$0x0];
	v5 =	vmul.f32 v12, v5  }
0x61: {  	v16 =	vld.idx.msk [tilespmem:v11+s2+$0x0], $0xffff  }
0x62: {  	v18 =	vsub.f32 $0.0e+00, v5;
	[tilespmem:v3+s24+$0x0] =	vst.idx.add.f32.msk $0xffff, v5;
	v3 =	vadd.f32 v10, v13  }
0x63: {  	v2 =	vld [tilespmem:s4+$0x0];
	v6 =	vadd.f32 $1.000000000e+00, v6  }
0x64: {  	v5 =	vsub.f32 v9, v15;
	[tilespmem:v7+s24+$0x0] =	vst.idx.add.f32.msk $0xffff, v18;
	v3 =	vadd.f32 $9.999999970e-07, v3  }
0x65: {  	v17 =	vsub.f32 $0.0e+00, v17;
	v7 =	vld [tilespmem:s31+$0xFFFFFFE0];
	v9 =	vpop (erf)  }
0x66: {  	v12 =	vld.idx.msk [tilespmem:v1+s2+$0x0], $0xffff;
	v5 =	vand.u32 $0x7FFFFFFF, v5;
	v10 =	vpop (erf);
	v3 =	vmul.f32 v6, v3  }
0x67: {  	v17 =	vmul.f32 $1.442695020e+00, v17;
	v13 =	vld [tilespmem:s31+$0xFFFFFFF0];
	v5 =	vmul.f32 v10, v5  }
0x68: {  	v15 =	vld [tilespmem:s31+$0x0];
	(erf) = vrcp.f32 v3  }
0x69: {  	v3 =	vld [tilespmem:s14+$0x10];
	v18 =	vsub.f32 $0.0e+00, v5;
	(erf) = vpow2.f32 v17  }
0x6a: {  	[tilespmem:v8+s24+$0x0] =	vst.idx.add.f32.msk $0xffff, v5;
	v5 =	vsub.f32 $0.0e+00, v7  }
0x6b: {  	s15 =	simm.s32 $0x77E0;
	[tilespmem:v4+s24+$0x0] =	vst.idx.add.f32.msk $0xffff, v18  }
0x6c: {  	v13 =	vsub.f32 $0.0e+00, v13;
	v4 =	vld [tilespmem:s15+$0x10];
	v18 =	vmul.f32 $1.442695020e+00, v5  }
0x6d: {  	v6 =	vld.idx.msk [tilespmem:v14+s2+$0x0], $0xffff  }
0x6e: {  	v10 =	vld.idx.msk [tilespmem:v2+s2+$0x0], $0xffff;
	v13 =	vmul.f32 $1.442695020e+00, v13;
	(erf) = vpow2.f32 v18  }
0x6f: {  	v15 =	vsub.f32 $0.0e+00, v15;
	v8 =	vld [tilespmem:s14+$0xFFFFFFE0]  }
0x70: {  	s17 =	simm.s32 $0x3BE0;
	v17 =	vld [tilespmem:s15+$0xFFFFFFE0]  }
0x71: {  	s16 =	simm.s32 $0x27E0;
	v7 =	vld [tilespmem:s17+$0x10];
	v15 =	vmul.f32 $1.442695020e+00, v15;
	(erf) = vpow2.f32 v13;
	v3 =	vadd.f32 v4, v3;
	v19 =	vpop (erf)  }
0x72: {  	v5 =	vld [tilespmem:s16+$0x10];
	v13 =	vpop (erf)  }
0x73: {  	v18 =	vld [tilespmem:s14+$0xFFFFFFF0];
	(erf) = vpow2.f32 v15;
	v15 =	vadd.f32 $9.999999970e-07, v3;
	v13 =	vadd.f32 $1.000000000e+00, v13  }
0x74: {  	v4 =	vld [tilespmem:s15+$0xFFFFFFF0]  }
0x75: {  	v21 =	vld [tilespmem:s15+$0x0];
	v16 =	vsub.f32 v6, v16;
	v13 =	vmul.f32 v13, v15  }
0x76: {  	v8 =	vadd.f32 v17, v8  }
0x77: {  	v6 =	vld [tilespmem:s16+$0xFFFFFFF0];
	v15 =	vand.u32 $0x7FFFFFFF, v16;
	(erf) = vrcp.f32 v13;
	v13 =	vsub.f32 v12, v10;
	v12 =	vpop (erf)  }
0x78: {  	v25 =	vadd.f32 $9.999999970e-07, v8;
	v3 =	vld [tilespmem:s17+$0xFFFFFFE0];
	v22 =	vmul.f32 v9, v15;
	v15 =	vadd.f32 $1.000000000e+00, v12  }
0x79: {  	v23 =	vld.idx.msk [tilespmem:v7+s2+$0x0], $0xffff;
	v17 =	vadd.f32 v4, v18  }
0x7a: {  	v20 =	vadd.f32 v21, v20;
	v16 =	vld.idx.msk [tilespmem:v5+s2+$0x0], $0xffff;
	v18 =	vpop (erf);
	v63 =	vmul.f32 v15, v25  }
0x7b: {  	v9 =	vld [tilespmem:s17+$0xFFFFFFF0];
	v17 =	vadd.f32 $9.999999970e-07, v17;
	v13 =	vand.u32 $0x7FFFFFFF, v13;
	v18 =	vadd.f32 $1.000000000e+00, v18  }
0x7c: {  	v10 =	vld [tilespmem:s16+$0x0];
	v8 =	vmul.f32 v19, v13;
	v19 =	vpop (erf);
	(erf) = vrcp.f32 v63  }
0x7d: {  	v20 =	vadd.f32 $9.999999970e-07, v20;
	v4 =	vld [tilespmem:s16+$0xFFFFFFE0];
	v19 =	vadd.f32 $1.000000000e+00, v19;
	v17 =	vmul.f32 v18, v17  }
0x7e: {  	v12 =	vld [tilespmem:s17+$0x0]  }
0x7f: {  	[tilespmem:v11+s24+$0x0] =	vst.idx.add.f32.msk $0xffff, v22;
	v18 =	vmul.f32 v19, v20;
	(erf) = vrcp.f32 v17  }
0x80: {  	v24 =	vsub.f32 $0.0e+00, v22;
	v13 =	vld.idx.msk [tilespmem:v3+s2+$0x0], $0xffff;
	v16 =	vsub.f32 v16, v23  }
0x81: {  	v15 =	vld.idx.msk [tilespmem:v6+s2+$0x0], $0xffff;
	(erf) = vrcp.f32 v18  }
0x82: {  	[tilespmem:v14+s24+$0x0] =	vst.idx.add.f32.msk $0xffff, v24;
	v14 =	vand.u32 $0x7FFFFFFF, v16;
	v17 =	vpop (erf)  }
0x83: {  	v16 =	vld.idx.msk [tilespmem:v9+s2+$0x0], $0xffff;
	v17 =	vmul.f32 v17, v14  }
0x84: {  	s29 =	simm.s32 $0x5020;
	s26 =	simm.s32 $0x4;
	v11 =	vsub.f32 $0.0e+00, v8;
	v14 =	vld.idx.msk [tilespmem:v10+s2+$0x0], $0xffff  }
.LBB2_4:
0x85: {  	v18 =	vld [tilespmem:s29+$0x10];
	v19 =	vsub.f32 $0.0e+00, v17;
	v20 =	vpop (erf)  }
0x86: {  	s26 =	sadd.s32 $0x4, s26;
	[tilespmem:v7+s24+$0x0] =	vst.idx.add.f32.msk $0xffff, v17  }
0x87: {  	p0 =	slt.u32 s26, $0x134;
	[tilespmem:v5+s24+$0x0] =	vst.idx.add.f32.msk $0xffff, v19  }
0x88: {  	v5 =	vld [tilespmem:s29+$0xFFFFFFE0];
	v7 =	vpop (erf)  }
0x89: {  	v15 =	vsub.f32 v15, v16;
	v17 =	vld [tilespmem:s29+$0xFFFFFFF0]  }
0x8a: {  	v16 =	vld [tilespmem:s29+$0x0];
	v19 =	vpop (erf)  }
0x8b: {  	v18 =	vsub.f32 $0.0e+00, v18;
	v15 =	vand.u32 $0x7FFFFFFF, v15;
	v21 =	vld.idx.msk [tilespmem:v4+s2+$0x0], $0xffff  }
0x8c: {  	v7 =	vmul.f32 v7, v15;
	v15 =	vld.idx.msk [tilespmem:v12+s2+$0x0], $0xffff  }
0x8d: {  	v18 =	vmul.f32 $1.442695020e+00, v18;
	v5 =	vsub.f32 $0.0e+00, v5;
	[tilespmem:v2+s24+$0x0] =	vst.idx.add.f32.msk $0xffff, v8;
	v2 =	vmov v12  }
0x8e: {  	v12 =	vsub.f32 $0.0e+00, v7;
	v8 =	vsub.f32 $0.0e+00, v17;
	[tilespmem:v1+s24+$0x0] =	vst.idx.add.f32.msk $0xffff, v11;
	v1 =	vmov v10  }
0x8f: {  	v5 =	vmul.f32 $1.442695020e+00, v5;
	v10 =	vsub.f32 $0.0e+00, v16;
	(erf) = vpow2.f32 v18;
	[tilespmem:v9+s24+$0x0] =	vst.idx.add.f32.msk $0xffff, v7  }
0x90: {  	s14 =	sadd.s32 $0x40, s14;
	v7 =	vmul.f32 $1.442695020e+00, v8;
	[tilespmem:v6+s24+$0x0] =	vst.idx.add.f32.msk $0xffff, v12  }
0x91: {  	s15 =	sadd.s32 $0x40, s15;
	v6 =	vmul.f32 $1.442695020e+00, v10;
	v9 =	vld [tilespmem:s14+$0x10];
	(erf) = vpow2.f32 v5;
	v5 =	vsub.f32 v21, v13  }
0x92: {  	v10 =	vld [tilespmem:s15+$0x10];
	(erf) = vpow2.f32 v7;
	v7 =	vsub.f32 v14, v15  }
0x93: {  	v12 =	vld [tilespmem:s14+$0xFFFFFFE0];
	(erf) = vpow2.f32 v6;
	v5 =	vand.u32 $0x7FFFFFFF, v5  }
0x94: {  	s16 =	sadd.s32 $0x40, s16;
	v6 =	vld [tilespmem:s15+$0xFFFFFFE0];
	v14 =	vmul.f32 v20, v5;
	v7 =	vand.u32 $0x7FFFFFFF, v7  }
0x95: {  	s17 =	sadd.s32 $0x40, s17;
	v5 =	vld [tilespmem:s16+$0x10];
	v8 =	vmul.f32 v19, v7  }
0x96: {  	v7 =	vld [tilespmem:s17+$0x10];
	v16 =	vsub.f32 $0.0e+00, v14  }
0x97: {  	v13 =	vld [tilespmem:s14+$0xFFFFFFF0];
	v9 =	vadd.f32 v10, v9;
	v11 =	vsub.f32 $0.0e+00, v8  }
0x98: {  	v10 =	vld [tilespmem:s15+$0xFFFFFFF0];
	v15 =	vpop (erf)  }
0x99: {  	v17 =	vld [tilespmem:s14+$0x0];
	v9 =	vadd.f32 $9.999999970e-07, v9;
	v20 =	vadd.f32 $1.000000000e+00, v15  }
0x9a: {  	v6 =	vadd.f32 v6, v12;
	v12 =	vld [tilespmem:s15+$0x0];
	v18 =	vpop (erf)  }
0x9b: {  	v19 =	vld [tilespmem:s17+$0xFFFFFFE0];
	v18 =	vadd.f32 $1.000000000e+00, v18;
	v9 =	vmul.f32 v20, v9;
	v15 =	vpop (erf)  }
0x9c: {  	v20 =	vadd.f32 $9.999999970e-07, v6;
	v6 =	vld [tilespmem:s16+$0xFFFFFFF0];
	v15 =	vadd.f32 $1.000000000e+00, v15;
	v21 =	vpop (erf)  }
0x9d: {  	v10 =	vadd.f32 v10, v13;
	v21 =	vadd.f32 $1.000000000e+00, v21;
	v22 =	vld.idx.msk [tilespmem:v5+s2+$0x0], $0xffff;
	(erf) = vrcp.f32 v9  }
0x9e: {  	v13 =	vmul.f32 v18, v20;
	v18 =	vld.idx.msk [tilespmem:v7+s2+$0x0], $0xffff  }
0x9f: {  	v9 =	vld [tilespmem:s17+$0xFFFFFFF0];
	v20 =	vadd.f32 $9.999999970e-07, v10;
	v17 =	vadd.f32 v12, v17  }
0xa0: {  	v10 =	vld [tilespmem:s16+$0x0];
	(erf) = vrcp.f32 v13  }
0xa1: {  	v15 =	vmul.f32 v15, v20;
	v12 =	vld [tilespmem:s17+$0x0];
	v17 =	vadd.f32 $9.999999970e-07, v17  }
0xa2: {  	v20 =	vld [tilespmem:s16+$0xFFFFFFE0]  }
0xa3: {  	v13 =	vld.idx.msk [tilespmem:v19+s2+$0x0], $0xffff;
	v21 =	vmul.f32 v21, v17;
	(erf) = vrcp.f32 v15  }
.Ltmp1:
0xa4: {  	v18 =	vsub.f32 v22, v18;
	v15 =	vld.idx.msk [tilespmem:v6+s2+$0x0], $0xffff;
	(pc) =	sbr.rel @p0 .LBB2_4-.Ltmp1, $4  }
0xa5: {  	(erf) = vrcp.f32 v21;
	[tilespmem:v3+s24+$0x0] =	vst.idx.add.f32.msk $0xffff, v14;
	v3 =	vmov v19  }
0xa6: {  	v14 =	vand.u32 $0x7FFFFFFF, v18;
	v17 =	vpop (erf);
	[tilespmem:v4+s24+$0x0] =	vst.idx.add.f32.msk $0xffff, v16  }
0xa7: {  	v16 =	vld.idx.msk [tilespmem:v9+s2+$0x0], $0xffff;
	v17 =	vmul.f32 v17, v14;
	v4 =	vmov v20  }
0xa8: {  	s29 =	sadd.s32 $0x40, s29;
	v14 =	vld.idx.msk [tilespmem:v10+s2+$0x0], $0xffff  }
0xa9: {  	_ =	sdelay $0x3  }
0xaa: {  	v18 =	vld.idx.msk [tilespmem:v4+s2+$0x0], $0xffff;
	_ =	sdelay $0x2  }
0xab: {  	v19 =	vld.idx.msk [tilespmem:v12+s2+$0x0], $0xffff  }
0xac: {  	v15 =	vsub.f32 v15, v16  }
0xad: {  	v63 =	vsub.f32 $0.0e+00, v17;
	v20 =	vpop (erf);
	v13 =	vsub.f32 v18, v13  }
0xae: {  	[tilespmem:v7+s24+$0x0] =	vst.idx.add.f32.msk $0xffff, v17;
	v7 =	vpop (erf);
	v15 =	vand.u32 $0x7FFFFFFF, v15  }
0xaf: {  	[tilespmem:v5+s24+$0x0] =	vst.idx.add.f32.msk $0xffff, v63;
	v5 =	vmul.f32 v7, v15;
	v7 =	vand.u32 $0x7FFFFFFF, v13  }
0xb0: {  	[tilespmem:v2+s24+$0x0] =	vst.idx.add.f32.msk $0xffff, v8;
	v2 =	vsub.f32 v14, v19  }
0xb1: {  	[tilespmem:v1+s24+$0x0] =	vst.idx.add.f32.msk $0xffff, v11;
	v8 =	vsub.f32 $0.0e+00, v5;
	v1 =	vmul.f32 v20, v7  }
0xb2: {  	v2 =	vand.u32 $0x7FFFFFFF, v2;
	[tilespmem:v9+s24+$0x0] =	vst.idx.add.f32.msk $0xffff, v5;
	v7 =	vpop (erf)  }
0xb3: {  	[tilespmem:v6+s24+$0x0] =	vst.idx.add.f32.msk $0xffff, v8;
	v5 =	vsub.f32 $0.0e+00, v1;
	v2 =	vmul.f32 v7, v2  }
0xb4: {  	[tilespmem:v3+s24+$0x0] =	vst.idx.add.f32.msk $0xffff, v1  }
0xb5: {  	[tilespmem:v4+s24+$0x0] =	vst.idx.add.f32.msk $0xffff, v5;
	v1 =	vsub.f32 $0.0e+00, v2  }
0xb6: {  	[tilespmem:v12+s24+$0x0] =	vst.idx.add.f32.msk $0xffff, v2  }
0xb7: {  	[tilespmem:v10+s24+$0x0] =	vst.idx.add.f32.msk $0xffff, v1  }
0xb8: {  	v1 =	vld [tilespmem:$0x62F8];
	_ =	sdelay $0x4  }
0xb9: {  	v1 =	vsub.f32 $0.0e+00, v1;
	_ =	sdelay $0x1  }
0xba: {  	v1 =	vmul.f32 $1.442695020e+00, v1;
	_ =	sdelay $0x1  }
0xbb: {  	(erf) = vpow2.f32 v1;
	_ =	sdelay $0x1  }
0xbc: {  	v2 =	vld [tilespmem:$0x8AF8]  }
0xbd: {  	v1 =	vld [tilespmem:$0x76F8];
	_ =	sdelay $0x1  }
0xbe: {  	v4 =	vld [tilespmem:$0x4EF8]  }
0xbf: {  	v3 =	vld [tilespmem:$0x3AF8];
	_ =	sdelay $0x1  }
0xc0: {  	v1 =	vadd.f32 v2, v1  }
0xc1: {  	v2 =	vpop (erf)  }
0xc2: {  	v4 =	vsel vm0, $0x0, v4;
	v1 =	vadd.f32 $9.999999970e-07, v1;
	v2 =	vadd.f32 $1.000000000e+00, v2  }
0xc3: {  	v3 =	vsel vm0, $0x0, v3  }
0xc4: {  	v1 =	vmul.f32 v2, v1;
	_ =	sdelay $0x1  }
0xc5: {  	(erf) = vrcp.f32 v1  }
0xc6: {  	v2 =	vld.idx.msk [tilespmem:v4+s2+$0x0], $0xffff  }
0xc7: {  	v1 =	vld.idx.msk [tilespmem:v3+s2+$0x0], $0xffff;
	_ =	sdelay $0x4  }
0xc8: {  	v1 =	vsub.f32 v1, v2;
	_ =	sdelay $0x1  }
0xc9: {  	v1 =	vand.u32 $0x7FFFFFFF, v1;
	v2 =	vpop (erf)  }
0xca: {  	v1 =	vmul.f32 v2, v1;
	_ =	sdelay $0x1  }
0xcb: {  	v2 =	vsub.f32 $0.0e+00, v1  }
0xcc: {  	[tilespmem:v4+s24+$0x0] =	vst.idx.add.f32.msk $0xffff, v1  }
0xcd: {  	s1 =	simm.s32 $0x77A0;
	[tilespmem:v3+s24+$0x0] =	vst.idx.add.f32.msk $0xffff, v2  }
0xce: {  	s0 =	simm.s32 $0x63A0;
	v5 =	vld [tilespmem:s1+$0xFFFFFFE0]  }
0xcf: {  	v7 =	vld [tilespmem:s0+$0xFFFFFFE0]  }
0xd0: {  	v3 =	vld [tilespmem:s1+$0xFFFFFFF0]  }
0xd1: {  	v6 =	vld [tilespmem:s0+$0xFFFFFFF0]  }
0xd2: {  	v2 =	vld [tilespmem:s1+$0x0]  }
0xd3: {  	v11 =	vimm.f32 $0.0e+00;
	v4 =	vld [tilespmem:s0+$0x0]  }
0xd4: {  	v13 =	vimm.f32 $0.0e+00;
	v1 =	vld [tilespmem:s1+$0x10];
	v8 =	vmul.f32 v5, v5;
	v12 =	vmul.f32 v7, v7  }
0xd5: {  	s3 =	simm.s32 $0x77E0;
	s1 =	simm.s32 $0x0;
	v9 =	vadd.f32 v7, v11;
	v10 =	vadd.f32 v5, v11;
	v7 =	vmul.f32 v3, v3;
	v5 =	vld [tilespmem:s0+$0x10]  }
.LBB2_6:
0xd6: {  	v14 =	vld [tilespmem:s3+$0xFFFFFFE0];
	v11 =	vadd.f32 v12, v11;
	v8 =	vadd.f32 v8, v13;
	v12 =	vmul.f32 v6, v6;
	s0 =	sadd.s32 $0x40, s0  }
0xd7: {  	s1 =	sadd.s32 $0x4, s1;
	v15 =	vld [tilespmem:s0+$0xFFFFFFE0];
	v9 =	vadd.f32 v6, v9;
	v10 =	vadd.f32 v3, v10;
	v13 =	vmul.f32 v2, v2  }
0xd8: {  	p0 =	slt.u32 s1, $0x134;
	v3 =	vld [tilespmem:s3+$0xFFFFFFF0];
	v11 =	vadd.f32 v12, v11;
	v7 =	vadd.f32 v7, v8;
	v8 =	vmul.f32 v4, v4  }
.Ltmp2:
0xd9: {  	v6 =	vld [tilespmem:s0+$0xFFFFFFF0];
	v9 =	vadd.f32 v4, v9;
	v10 =	vadd.f32 v2, v10;
	v16 =	vmul.f32 v1, v1;
	(pc) =	sbr.rel @p0 .LBB2_6-.Ltmp2, $4  }
0xda: {  	v2 =	vld [tilespmem:s3+$0x0];
	v11 =	vadd.f32 v8, v11;
	v7 =	vadd.f32 v13, v7;
	v13 =	vmul.f32 v5, v5  }
0xdb: {  	v8 =	vmul.f32 v14, v14;
	v4 =	vld [tilespmem:s0+$0x0];
	v5 =	vadd.f32 v5, v9;
	v10 =	vadd.f32 v1, v10  }
0xdc: {  	v12 =	vmul.f32 v15, v15;
	v1 =	vld [tilespmem:s3+$0x10];
	v11 =	vadd.f32 v13, v11;
	v13 =	vadd.f32 v16, v7  }
0xdd: {  	s3 =	sadd.s32 $0x40, s3;
	v9 =	vadd.f32 v15, v5;
	v10 =	vadd.f32 v14, v10;
	v7 =	vmul.f32 v3, v3;
	v5 =	vld [tilespmem:s0+$0x10]  }
0xde: {  	v11 =	vadd.f32 v12, v11;
	v43 =	vmul.f32 v6, v6  }
0xdf: {  	v8 =	vadd.f32 v8, v13;
	v45 =	vld [tilespmem:$0x76F8];
	v44 =	vadd.f32 v6, v9  }
0xe0: {  	v48 =	vld [tilespmem:$0x8AF8];
	v3 =	vadd.f32 v3, v10;
	v46 =	vadd.f32 v43, v11;
	v47 =	vmul.f32 v4, v4  }
0xe1: {  	v49 =	vmul.f32 v2, v2;
	v7 =	vadd.f32 v7, v8;
	v50 =	vadd.f32 v4, v44  }
0xe2: {  	v2 =	vadd.f32 v2, v3;
	v3 =	vadd.f32 v47, v46;
	v51 =	vmul.f32 v5, v5  }
0xe3: {  	v52 =	vmul.f32 v1, v1;
	v7 =	vadd.f32 v49, v7;
	v4 =	vadd.f32 v5, v50  }
0xe4: {  	v1 =	vadd.f32 v1, v2;
	v2 =	vadd.f32 v51, v3;
	v3 =	vsel vm0, $0x0, v45  }
0xe5: {  	v53 =	vsel vm0, $0x0, v48;
	v4 =	vadd.f32 v3, v4;
	v3 =	vmul.f32 v3, v3  }
0xe6: {  	v54 =	vadd.f32 v52, v7;
	v5 =	vmul.f32 v53, v53;
	v1 =	vadd.f32 v53, v1  }
0xe7: {  	[tilespmem:$0xB290] =	vst v4;
	v2 =	vadd.f32 v3, v2  }
0xe8: {  	[tilespmem:$0xB2A0] =	vst v1;
	v1 =	vadd.f32 v5, v54  }
0xe9: {  	[tilespmem:$0xB2B0] =	vst v2  }
0xea: {  	s0 =	simm.s32 $0x400;
	[tilespmem:$0xB2C0] =	vst v1  }
0xeb: {  	[spmem:s9] =	stream.strided.scatter [tilespmem:s24], [sflag:$0x7], $0x2800, s0, s25, $0x38;
	[tilespmem:$0x10600] =	vst v63  }
0xec: {  	_ =	swait.ge [sflag:s28], $0x2800  }
0xed: {  	[sflag:s28] =	ssyncset.done $0x0  }
0xee: {  	s14 =	simm.s32 $0x1400;
	s1 =	simm.s32 $0x14000;
	[sflag:s28] =	ssyncadd.s32 $0xFFFFD800  }
0xef: {  	s3 =	simm.s32 $0xB380;
	s0 =	simm.s32 $0x0;
	[bflag:$0x0] =	sbarrier.arrive $0xFFFF  }
0xf0: {  	[tilespmem:s3], [sflag:$0x7] =	stream.strided.gather [spmem:s10], $0x2800, s1, s14, $0x38;
	[tilespmem:$0x10600] =	vst v63  }
0xf1: {  	s1 =	sand.u32 $0x1C00, s0;
	_ =	swait.ge [sflag:s28], $0x2800  }
0xf2: {  	s3 =	sand.u32 $0x60, s0;
	s4 =	sadd.s32 $0xB380, s1;
	[sflag:s28] =	ssyncset.done $0x0  }
0xf3: {  	s5 =	sor.u32 s3, s4;
	[sflag:s28] =	ssyncadd.s32 $0xFFFFD800  }
0xf4: {  	v1 =	vld [tilespmem:s5+$0x0]  }
0xf5: {  	v2 =	vld [tilespmem:s5+$0x80];
	_ =	sdelay $0x1  }
0xf6: {  	v3 =	vld [tilespmem:s5+$0x100];
	_ =	sdelay $0x1  }
0xf7: {  	v55 =	vld [tilespmem:s5+$0x180]  }
0xf8: {  	v1 =	vadd.f32 v2, v1  }
0xf9: {  	v2 =	vld [tilespmem:s5+$0x200]  }
0xfa: {  	v1 =	vadd.f32 v3, v1  }
0xfb: {  	v3 =	vld [tilespmem:s5+$0x280]  }
0xfc: {  	v1 =	vadd.f32 v55, v1  }
0xfd: {  	v56 =	vld [tilespmem:s5+$0x300]  }
0xfe: {  	v1 =	vadd.f32 v2, v1  }
0xff: {  	s6 =	sadd.s32 $0xC780, s1;
	v2 =	vld [tilespmem:s5+$0x380]  }
0x100: {  	s15 =	sor.u32 s3, s6;
	v1 =	vadd.f32 v3, v1  }
0x101: {  	s7 =	sadd.s32 $0xC800, s1;
	v3 =	vld [tilespmem:s15+$0x0]  }
0x102: {  	s16 =	sor.u32 s3, s7;
	v1 =	vadd.f32 v56, v1  }
0x103: {  	s14 =	sadd.s32 $0xC880, s1;
	v57 =	vld [tilespmem:s16+$0x0]  }
0x104: {  	s17 =	sor.u32 s3, s14;
	v1 =	vadd.f32 v2, v1  }
0x105: {  	s15 =	sadd.s32 $0xC900, s1;
	v2 =	vld [tilespmem:s17+$0x0]  }
0x106: {  	s26 =	sor.u32 s3, s15;
	v1 =	vadd.f32 v3, v1  }
0x107: {  	s16 =	sadd.s32 $0xC980, s1;
	v3 =	vld [tilespmem:s26+$0x0]  }
0x108: {  	s29 =	sor.u32 s3, s16;
	v1 =	vadd.f32 v57, v1  }
0x109: {  	v58 =	vld [tilespmem:s29+$0x0];
	s17 =	sadd.s32 $0xCA00, s1  }
0x10a: {  	s30 =	sor.u32 s3, s17;
	v1 =	vadd.f32 v2, v1  }
0x10b: {  	s26 =	sadd.s32 $0xCA80, s1;
	v2 =	vld [tilespmem:s30+$0x0]  }
0x10c: {  	s8 =	sor.u32 s3, s26;
	v1 =	vadd.f32 v3, v1  }
0x10d: {  	s1 =	sadd.s32 $0xCB00, s1;
	v3 =	vld [tilespmem:s8+$0x0]  }
0x10e: {  	s29 =	sor.u32 s3, s1;
	v1 =	vadd.f32 v58, v1  }
0x10f: {  	v59 =	vld [tilespmem:s29+$0x0]  }
0x110: {  	v1 =	vadd.f32 v2, v1;
	_ =	sdelay $0x1  }
0x111: {  	v1 =	vadd.f32 v3, v1;
	_ =	sdelay $0x1  }
0x112: {  	v1 =	vadd.f32 v59, v1  }
0x113: {  	s31 =	sor.u32 $0x10, s3;
	s30 =	simm.s32 $0xDB80  }
0x114: {  	s3 =	sor.u32 s31, s4;
	[tilespmem:s30+$0x0] =	vst v1  }
0x115: {  	v1 =	vld [tilespmem:s3+$0x0]  }
0x116: {  	v2 =	vld [tilespmem:s3+$0x80];
	_ =	sdelay $0x1  }
0x117: {  	v3 =	vld [tilespmem:s3+$0x100];
	_ =	sdelay $0x1  }
0x118: {  	v60 =	vld [tilespmem:s3+$0x180]  }
0x119: {  	v1 =	vadd.f32 v2, v1  }
0x11a: {  	v2 =	vld [tilespmem:s3+$0x200]  }
0x11b: {  	v1 =	vadd.f32 v3, v1  }
0x11c: {  	v3 =	vld [tilespmem:s3+$0x280]  }
0x11d: {  	v1 =	vadd.f32 v60, v1  }
0x11e: {  	v61 =	vld [tilespmem:s3+$0x300]  }
0x11f: {  	v1 =	vadd.f32 v2, v1  }
0x120: {  	v2 =	vld [tilespmem:s3+$0x380]  }
0x121: {  	s6 =	sor.u32 s31, s6;
	v1 =	vadd.f32 v3, v1  }
0x122: {  	v3 =	vld [tilespmem:s6+$0x0]  }
0x123: {  	s8 =	sor.u32 s31, s7;
	v1 =	vadd.f32 v61, v1  }
0x124: {  	v62 =	vld [tilespmem:s8+$0x0]  }
0x125: {  	s14 =	sor.u32 s31, s14;
	v1 =	vadd.f32 v2, v1  }
0x126: {  	v2 =	vld [tilespmem:s14+$0x0]  }
0x127: {  	s15 =	sor.u32 s31, s15;
	v1 =	vadd.f32 v3, v1  }
0x128: {  	v3 =	vld [tilespmem:s15+$0x0]  }
0x129: {  	s16 =	sor.u32 s31, s16;
	v1 =	vadd.f32 v62, v1  }
0x12a: {  	v63 =	vld [tilespmem:s16+$0x0]  }
0x12b: {  	s29 =	sor.u32 s31, s17;
	v1 =	vadd.f32 v2, v1  }
0x12c: {  	v2 =	vld [tilespmem:s29+$0x0]  }
0x12d: {  	v1 =	vadd.f32 v3, v1  }
0x12e: {  	s30 =	sor.u32 s31, s26  }
0x12f: {  	v3 =	vld [tilespmem:s30+$0x0];
	v1 =	vadd.f32 v63, v1  }
0x130: {  	s1 =	sor.u32 s31, s1  }
0x131: {  	v2 =	vadd.f32 v2, v1;
	v1 =	vld [tilespmem:s1+$0x0];
	_ =	sdelay $0x1  }
0x132: {  	s0 =	sand.u32 $0x380, s0;
	s17 =	simm.s32 $0x100  }
0x133: {  	s16 =	simm.s32 $0x2;
	s14 =	simm.s32 $0x20;
	s15 =	simm.s32 $0xDBA0;
	v2 =	vadd.f32 v3, v2  }
.LBB2_8:
0x134: {  	s6 =	sand.u32 $0x60, s14;
	s29 =	sand.u32 $0x1C00, s17;
	s31 =	sor.u32 s31, s0  }
0x135: {  	s7 =	sadd.s32 $0xB380, s29;
	s5 =	sadd.s32 $0xC780, s29;
	s4 =	sadd.s32 $0xC800, s29;
	v1 =	vadd.f32 v1, v2  }
0x136: {  	s3 =	sadd.s32 $0xC880, s29;
	s1 =	sadd.s32 $0xC900, s29;
	s8 =	sor.u32 s6, s7  }
0x137: {  	s0 =	sadd.s32 $0xC980, s29;
	s30 =	sadd.s32 $0xCA00, s29;
	s26 =	sadd.s32 $0xCA80, s29;
	[tilespmem:s31+$0xDB80] =	vst v1  }
0x138: {  	s16 =	sadd.s32 $0x2, s16;
	s29 =	sadd.s32 $0xCB00, s29;
	v1 =	vld [tilespmem:s8+$0x0]  }
0x139: {  	p0 =	slt.u32 s16, $0x26;
	v2 =	vld [tilespmem:s8+$0x80];
	_ =	sdelay $0x1  }
0x13a: {  	v3 =	vld [tilespmem:s8+$0x100];
	_ =	sdelay $0x1  }
0x13b: {  	v4 =	vld [tilespmem:s8+$0x180]  }
0x13c: {  	v1 =	vadd.f32 v2, v1  }
0x13d: {  	v2 =	vld [tilespmem:s8+$0x200]  }
0x13e: {  	v1 =	vadd.f32 v3, v1  }
0x13f: {  	v3 =	vld [tilespmem:s8+$0x280]  }
0x140: {  	v1 =	vadd.f32 v4, v1  }
0x141: {  	v4 =	vld [tilespmem:s8+$0x300]  }
0x142: {  	v1 =	vadd.f32 v2, v1  }
0x143: {  	v2 =	vld [tilespmem:s8+$0x380]  }
0x144: {  	s8 =	sor.u32 s6, s5;
	v1 =	vadd.f32 v3, v1  }
0x145: {  	v3 =	vld [tilespmem:s8+$0x0]  }
0x146: {  	s8 =	sor.u32 s6, s4;
	v1 =	vadd.f32 v4, v1  }
0x147: {  	v4 =	vld [tilespmem:s8+$0x0]  }
0x148: {  	s8 =	sor.u32 s6, s3;
	v1 =	vadd.f32 v2, v1  }
0x149: {  	v2 =	vld [tilespmem:s8+$0x0]  }
0x14a: {  	s8 =	sor.u32 s6, s1;
	v1 =	vadd.f32 v3, v1  }
0x14b: {  	v3 =	vld [tilespmem:s8+$0x0]  }
0x14c: {  	s8 =	sor.u32 s6, s0;
	v1 =	vadd.f32 v4, v1  }
0x14d: {  	v4 =	vld [tilespmem:s8+$0x0]  }
0x14e: {  	s8 =	sor.u32 s6, s30;
	v1 =	vadd.f32 v2, v1  }
0x14f: {  	v2 =	vld [tilespmem:s8+$0x0]  }
0x150: {  	s8 =	sor.u32 s6, s26;
	v1 =	vadd.f32 v3, v1  }
0x151: {  	v3 =	vld [tilespmem:s8+$0x0]  }
0x152: {  	s8 =	sor.u32 s6, s29;
	v1 =	vadd.f32 v4, v1  }
0x153: {  	v4 =	vld [tilespmem:s8+$0x0]  }
0x154: {  	v1 =	vadd.f32 v2, v1;
	_ =	sdelay $0x1  }
0x155: {  	v1 =	vadd.f32 v3, v1;
	_ =	sdelay $0x1  }
0x156: {  	v1 =	vadd.f32 v4, v1  }
0x157: {  	s31 =	sor.u32 $0x10, s6  }
0x158: {  	s6 =	sor.u32 s31, s7;
	[tilespmem:s15+$0x0] =	vst v1  }
0x159: {  	v1 =	vld [tilespmem:s6+$0x0]  }
0x15a: {  	v2 =	vld [tilespmem:s6+$0x80];
	_ =	sdelay $0x1  }
0x15b: {  	v3 =	vld [tilespmem:s6+$0x100]  }
0x15c: {  	v4 =	vld [tilespmem:s6+$0x180];
	_ =	sdelay $0x1  }
0x15d: {  	v1 =	vadd.f32 v2, v1;
	v2 =	vld [tilespmem:s6+$0x200];
	_ =	sdelay $0x1  }
0x15e: {  	v1 =	vadd.f32 v3, v1;
	v3 =	vld [tilespmem:s6+$0x280];
	_ =	sdelay $0x1  }
0x15f: {  	v1 =	vadd.f32 v4, v1;
	v4 =	vld [tilespmem:s6+$0x300];
	_ =	sdelay $0x1  }
0x160: {  	v1 =	vadd.f32 v2, v1;
	v2 =	vld [tilespmem:s6+$0x380]  }
0x161: {  	s5 =	sor.u32 s31, s5  }
0x162: {  	v1 =	vadd.f32 v3, v1;
	v3 =	vld [tilespmem:s5+$0x0]  }
0x163: {  	s4 =	sor.u32 s31, s4  }
0x164: {  	v1 =	vadd.f32 v4, v1;
	v4 =	vld [tilespmem:s4+$0x0]  }
0x165: {  	s3 =	sor.u32 s31, s3  }
0x166: {  	v1 =	vadd.f32 v2, v1;
	v2 =	vld [tilespmem:s3+$0x0]  }
0x167: {  	s1 =	sor.u32 s31, s1  }
0x168: {  	v1 =	vadd.f32 v3, v1;
	v3 =	vld [tilespmem:s1+$0x0]  }
0x169: {  	s0 =	sor.u32 s31, s0  }
0x16a: {  	v1 =	vadd.f32 v4, v1;
	v4 =	vld [tilespmem:s0+$0x0]  }
0x16b: {  	s0 =	sor.u32 s31, s30  }
0x16c: {  	v1 =	vadd.f32 v2, v1;
	v2 =	vld [tilespmem:s0+$0x0]  }
0x16d: {  	s0 =	sor.u32 s31, s26  }
0x16e: {  	v1 =	vadd.f32 v3, v1;
	v3 =	vld [tilespmem:s0+$0x0]  }
0x16f: {  	s0 =	sor.u32 s31, s29  }
.Ltmp3:
0x170: {  	v4 =	vadd.f32 v4, v1;
	v1 =	vld [tilespmem:s0+$0x0];
	(pc) =	sbr.rel @p0 .LBB2_8-.Ltmp3, $4  }
0x171: {  	_ = 	snop  }
0x172: {  	v2 =	vadd.f32 v2, v4  }
0x173: {  	s15 =	sadd.s32 $0x20, s15  }
0x174: {  	s17 =	sadd.s32 $0x100, s17;
	s0 =	sand.u32 $0x380, s14;
	s14 =	sadd.s32 $0x20, s14;
	v2 =	vadd.f32 v3, v2  }
0x175: {  	_ = 	snop  }
0x176: {  	s1 =	sand.u32 $0x1C00, s17;
	v1 =	vadd.f32 v1, v2  }
0x177: {  	s3 =	sand.u32 $0x60, s14;
	s0 =	sor.u32 s31, s0;
	s4 =	sadd.s32 $0xB380, s1  }
0x178: {  	s5 =	sor.u32 s3, s4;
	[tilespmem:s0+$0xDB80] =	vst v1  }
0x179: {  	v1 =	vld [tilespmem:s5+$0x0]  }
0x17a: {  	v2 =	vld [tilespmem:s5+$0x80];
	_ =	sdelay $0x1  }
0x17b: {  	v3 =	vld [tilespmem:s5+$0x100];
	_ =	sdelay $0x1  }
0x17c: {  	v4 =	vld [tilespmem:s5+$0x180]  }
0x17d: {  	v1 =	vadd.f32 v2, v1  }
0x17e: {  	v2 =	vld [tilespmem:s5+$0x200]  }
0x17f: {  	v1 =	vadd.f32 v3, v1  }
0x180: {  	v3 =	vld [tilespmem:s5+$0x280]  }
0x181: {  	v1 =	vadd.f32 v4, v1  }
0x182: {  	v55 =	vld [tilespmem:s5+$0x300]  }
0x183: {  	v1 =	vadd.f32 v2, v1  }
0x184: {  	s0 =	sadd.s32 $0xC780, s1;
	v2 =	vld [tilespmem:s5+$0x380]  }
0x185: {  	s7 =	sor.u32 s3, s0;
	v1 =	vadd.f32 v3, v1  }
0x186: {  	s6 =	sadd.s32 $0xC800, s1;
	v3 =	vld [tilespmem:s7+$0x0]  }
0x187: {  	s8 =	sor.u32 s3, s6;
	v1 =	vadd.f32 v55, v1  }
0x188: {  	v56 =	vld [tilespmem:s8+$0x0];
	s7 =	sadd.s32 $0xC880, s1  }
0x189: {  	s16 =	sor.u32 s3, s7;
	v1 =	vadd.f32 v2, v1  }
0x18a: {  	s8 =	sadd.s32 $0xC900, s1;
	v2 =	vld [tilespmem:s16+$0x0]  }
0x18b: {  	s17 =	sor.u32 s3, s8;
	v1 =	vadd.f32 v3, v1  }
0x18c: {  	s16 =	sadd.s32 $0xC980, s1;
	v3 =	vld [tilespmem:s17+$0x0]  }
0x18d: {  	s26 =	sor.u32 s3, s16;
	v1 =	vadd.f32 v56, v1  }
0x18e: {  	s17 =	sadd.s32 $0xCA00, s1;
	v57 =	vld [tilespmem:s26+$0x0]  }
0x18f: {  	s29 =	sor.u32 s3, s17;
	v1 =	vadd.f32 v2, v1  }
0x190: {  	s26 =	sadd.s32 $0xCA80, s1;
	v2 =	vld [tilespmem:s29+$0x0]  }
0x191: {  	s30 =	sor.u32 s3, s26;
	v1 =	vadd.f32 v3, v1  }
0x192: {  	s1 =	sadd.s32 $0xCB00, s1;
	v3 =	vld [tilespmem:s30+$0x0]  }
0x193: {  	s31 =	sor.u32 s3, s1;
	v1 =	vadd.f32 v57, v1  }
0x194: {  	v58 =	vld [tilespmem:s31+$0x0]  }
0x195: {  	v1 =	vadd.f32 v2, v1;
	_ =	sdelay $0x1  }
0x196: {  	v1 =	vadd.f32 v3, v1;
	_ =	sdelay $0x1  }
0x197: {  	v1 =	vadd.f32 v58, v1  }
0x198: {  	s3 =	sor.u32 $0x10, s3  }
0x199: {  	s4 =	sor.u32 s3, s4;
	[tilespmem:s15+$0x0] =	vst v1  }
0x19a: {  	v1 =	vld [tilespmem:s4+$0x0]  }
0x19b: {  	v2 =	vld [tilespmem:s4+$0x80];
	_ =	sdelay $0x1  }
0x19c: {  	v3 =	vld [tilespmem:s4+$0x100];
	_ =	sdelay $0x1  }
0x19d: {  	v59 =	vld [tilespmem:s4+$0x180]  }
0x19e: {  	v1 =	vadd.f32 v2, v1  }
0x19f: {  	v2 =	vld [tilespmem:s4+$0x200]  }
0x1a0: {  	v1 =	vadd.f32 v3, v1  }
0x1a1: {  	v3 =	vld [tilespmem:s4+$0x280]  }
0x1a2: {  	v1 =	vadd.f32 v59, v1  }
0x1a3: {  	v60 =	vld [tilespmem:s4+$0x300]  }
0x1a4: {  	v1 =	vadd.f32 v2, v1  }
0x1a5: {  	v2 =	vld [tilespmem:s4+$0x380]  }
0x1a6: {  	s0 =	sor.u32 s3, s0;
	v1 =	vadd.f32 v3, v1  }
0x1a7: {  	v3 =	vld [tilespmem:s0+$0x0]  }
0x1a8: {  	s6 =	sor.u32 s3, s6;
	v1 =	vadd.f32 v60, v1  }
0x1a9: {  	v61 =	vld [tilespmem:s6+$0x0]  }
0x1aa: {  	s7 =	sor.u32 s3, s7;
	v1 =	vadd.f32 v2, v1  }
0x1ab: {  	v2 =	vld [tilespmem:s7+$0x0]  }
0x1ac: {  	s8 =	sor.u32 s3, s8;
	v1 =	vadd.f32 v3, v1  }
0x1ad: {  	v3 =	vld [tilespmem:s8+$0x0]  }
0x1ae: {  	s15 =	sor.u32 s3, s16;
	v1 =	vadd.f32 v61, v1  }
0x1af: {  	v62 =	vld [tilespmem:s15+$0x0]  }
0x1b0: {  	s16 =	sor.u32 s3, s17;
	v1 =	vadd.f32 v2, v1  }
0x1b1: {  	v2 =	vld [tilespmem:s16+$0x0]  }
0x1b2: {  	s17 =	sor.u32 s3, s26;
	v1 =	vadd.f32 v3, v1  }
0x1b3: {  	v3 =	vld [tilespmem:s17+$0x0]  }
0x1b4: {  	s26 =	sor.u32 s3, s1;
	v1 =	vadd.f32 v62, v1  }
0x1b5: {  	v63 =	vld [tilespmem:s26+$0x0]  }
0x1b6: {  	v1 =	vadd.f32 v2, v1;
	_ =	sdelay $0x1  }
0x1b7: {  	v1 =	vadd.f32 v3, v1;
	_ =	sdelay $0x1  }
0x1b8: {  	s13 =	sadd.s32 $0x1, s13;
	s29 =	sand.u32 $0x380, s14;
	v1 =	vadd.f32 v63, v1  }
0x1b9: {  	p0 =	sne.s32 s13, s12;
	s0 =	sor.u32 s3, s29  }
.Ltmp4:
0x1ba: {  	s31 =	simm.s32 $0xDB80;
	s30 =	simm.s32 $0x100;
	[tilespmem:s0+$0xDB80] =	vst v1;
	(pc) =	sbr.rel @p0 .LBB2_1-.Ltmp4, $4  }
0x1bb: {  	[hbm4b:s11+s25] =	stream.strided.scatter [tilespmem:s31], [sflag:$0x7], $0x280, s30, s25, $0x38;
	[tilespmem:$0x10600] =	vst v63  }
0x1bc: {  	_ =	swait.ge [sflag:s28], $0x280  }
0x1bd: {  	[sflag:s28] =	ssyncset.done $0x0  }
0x1be: {  	[sflag:s28] =	ssyncadd.s32 $0xFFFFFD80  }
0x1bf: {  	_ =	sfence.sel $0x180000  }
0x1c0: {  	[bflag:$0x0] =	sbarrier.arrive $0xFFFF  }
0x1c1: {  	_ =	strace $0x9000004A  }
0x1c2: {  	s0 =	stileid.u32;
	[bflag:$0x2] =	sbarrier.arrive $0xFFFF  }
0x1c3: {  	p0 =	sne.s32 s0, $0x0;
	s0 =	rddreg [dreg:$0x3]  }
0x1c4: {  	s0 =	sadd.s32 @!p0 $0x100000, s0  }
0x1c5: {  	[sflag:s0] =	ssyncadd.tile.s32 @!p0 $0x1;
	_ =	shalt  }
.Lfunc_end2:
_tile_overlayer_lowered:
.L_overlay_start_2:
0x1c6: {  	(tag) =	ssettag $0x2  }
0x1c7: {  	s0 =	rddreg [dreg:$0x0];
	s2 =	stileid.u32  }
0x1c8: {  	s1 =	rddreg [dreg:$0x1];
	p0 =	sne.s32 s2, $0x0  }
0x1c9: {  	s3 =	rddreg [dreg:$0x2];
	[bflag:$0x3] =	sbarrier.arrive $0xFFFF;
	s2 =	simm.s32 @!p0 $0x1C07  }
0x1ca: {  	[timem:s3], [sflag:s2] =	dma.local @!p0 [hbm:s0], s1  }
0x1cb: {  	s0 =	simm.s32 @!p0 $0x7  }
0x1cc: {  	_ =	swait.ge @!p0 [sflag:s0], s1  }
0x1cd: {  	s1 =	ssub.s32 @!p0 $0x0, s1;
	[sflag:s0] =	ssyncset.done @!p0 $0x0  }
0x1ce: {  	[sflag:s0] =	ssyncadd.s32 @!p0 s1  }
0x1cf: {  	[bflag:$0x3] =	sbarrier.arrive $0xFFFF  }
0x1d0: {  	_ =	shalt  }

</sc_bundles>
